<compile_context>
chip_gen: v7x
topology: tpu7x:2x2x1
jax: 0.10.2.dev20260603
libtpu: 0.0.44.dev20260713+nightly
codegen_flags: <defaults>
</compile_context>

<pallas_src>
import functools

import jax
import jax.numpy as jnp
from jax import lax
from jax.experimental import pallas as pl
from jax.experimental.pallas import tpu as pltpu
from jax.experimental.pallas import tpu_sc as plsc

B, N, DIM = 16, 256, 384
K = 8192
DIM_MEM = 256
M = B * N

BM = 512
BK = 1024
NH = 4
MB = M // BM
KB = K // BK


def _argmax_body(x_ref, cb_ref, f2_ref, n2_ref, out_ref):
    x_blk = x_ref[...] * 2.0
    f2 = f2_ref[...]
    iota = lax.broadcasted_iota(jnp.int32, (1, BK), 1).astype(jnp.float32)
    mval = None
    midx = None
    for k in range(KB):
        mm2 = lax.dot_general(
            x_blk, cb_ref[pl.ds(k * BK, BK), :],
            (((1,), (1,)), ((), ())),
            preferred_element_type=jnp.float32,
            precision=lax.Precision.DEFAULT,
        )
        t = (f2 - mm2) + n2_ref[0:1, pl.ds(k * BK, BK)]
        rowmin = jnp.min(t, axis=1, keepdims=True)
        rowarg_f = jnp.min(
            jnp.where(t == rowmin, iota, jnp.float32(2**30)),
            axis=1, keepdims=True,
        )
        rowarg = rowarg_f.astype(jnp.int32) + k * BK
        if k == 0:
            mval, midx = rowmin, rowarg
        else:
            better = rowmin < mval
            mval = jnp.where(better, rowmin, mval)
            midx = jnp.where(better, rowarg, midx)
    out_ref[...] = midx[None]


def _nearest_codes(flatten, codebook, interpret=False):
    f2 = jnp.sum(flatten ** 2, axis=1, keepdims=True)
    n2 = jnp.sum(codebook ** 2, axis=1)[None, :]
    out = pl.pallas_call(
        _argmax_body,
        grid=(MB,),
        in_specs=[
            pl.BlockSpec((BM, DIM), lambda m: (m, 0)),
            pl.BlockSpec((K, DIM), lambda m: (0, 0)),
            pl.BlockSpec((BM, 1), lambda m: (m, 0)),
            pl.BlockSpec((1, K), lambda m: (0, 0)),
        ],
        out_specs=pl.BlockSpec((1, BM, 1), lambda m: (m, 0, 0)),
        out_shape=jax.ShapeDtypeStruct((MB, BM, 1), jnp.int32),
        interpret=interpret,
    )(flatten, codebook, f2, n2)
    return out.reshape(M)


_GC = 4


@functools.cache
def _make_gather():
    info = plsc.get_sparse_core_info()
    nc, ns = info.num_cores, info.num_subcores
    nw = nc * ns
    rows_per_w = M // nw
    rc = rows_per_w // _GC

    def _gather_body(idx_hbm, values_hbm, out_hbm, idx_v, rows_v, *sems):
        wid = lax.axis_index("s") * nc + lax.axis_index("c")
        base = wid * rows_per_w
        pltpu.sync_copy(idx_hbm.at[wid], idx_v)
        gathers = [
            pltpu.async_copy(values_hbm.at[idx_v.at[c]], rows_v.at[c], sems[c])
            for c in range(_GC)
        ]
        stores = []
        for c in range(_GC):
            gathers[c].wait()
            stores.append(pltpu.async_copy(
                rows_v.at[c], out_hbm.at[pl.ds(base + c * rc, rc)], sems[_GC]))
        for s in stores:
            s.wait()

    return pl.kernel(
        _gather_body,
        out_type=jax.ShapeDtypeStruct((M, DIM_MEM), jnp.float32),
        mesh=plsc.VectorSubcoreMesh(core_axis_name="c", subcore_axis_name="s"),
        scratch_types=[
            pltpu.VMEM((_GC, rc), jnp.int32),
            pltpu.VMEM((_GC, rc, DIM_MEM), jnp.float32),
        ] + [pltpu.SemaphoreType.DMA] * (_GC + 1),
    ), nw, rc


def kernel(x, codebook, values):
    flatten = x.reshape(M, DIM)
    idx = _nearest_codes(flatten, codebook)
    gather, nw, rc = _make_gather()
    memories = gather(idx.reshape(nw, _GC, rc), values)
    return memories.reshape(B, N, DIM_MEM)

# --- scband reference (transcript-rebuilt; emitter-appended) ---
"""Pipeline reference for scband-discrete-key-value-bottleneck-37907381355000 (READ-ONLY COPY).

The authoritative reference and input builder live on the scoring server;
editing this copy changes nothing except your own understanding.
"""

import jax, jax.numpy as jnp
import numpy as np

B, N, DIM = 16, 256, 384
K = 8192
DIM_MEM = 256

def setup_inputs(seed: int = 0) -> dict:
    key = jax.random.key(seed)
    k1, k2, k3 = jax.random.split(key, 3)
    x = jax.random.normal(k1, (B, N, DIM), dtype=jnp.float32)
    # learned parameters: VQ euclidean codebook and the key-value bottleneck values
    codebook = jax.random.normal(k2, (K, DIM), dtype=jnp.float32)
    values = jax.random.normal(k3, (K, DIM_MEM), dtype=jnp.float32)
    return {"x": x, "codebook": codebook, "values": values}

def reference(x, codebook, values):
    # VectorQuantize (euclidean codebook) forward: nearest-neighbor code indices
    flatten = x.reshape(-1, x.shape[-1])  # [B*N, DIM]
    # dist = -(||f||^2 - 2 f.e + ||e||^2); argmax(dist) == nearest code
    dist = -(
        jnp.sum(flatten ** 2, axis=1, keepdims=True)
        - 2.0 * (flatten @ codebook.T)
        + jnp.sum(codebook ** 2, axis=1)[None, :]
    )  # [B*N, K]
    embed_ind = jnp.argmax(dist, axis=-1)  # [B*N]
    memory_indices = embed_ind.reshape(x.shape[0], x.shape[1])  # [B, N]
    # key-value bottleneck: gather learned value memories by code index
    memories = jnp.take(values, memory_indices, axis=0)  # [B, N, DIM_MEM]
    return memories

if __name__ == "__main__":
    import jax
    _d = setup_inputs()
    print(jax.jit(kernel)(*tuple(_d.values())))

</pallas_src>

<mosaic_0001>
#map = affine_map<(d0, d1) -> (0, 0, 0)>
#map1 = affine_map<(d0, d1) -> (0, 0)>
module attributes {stable_mosaic.version = 14 : i64} {
  func.func @_gather_body(%arg0: i32, %arg1: i32, %arg2: memref<32x4x32xi32, #tpu.memory_space<hbm>>, %arg3: memref<8192x256xf32, #tpu.memory_space<hbm>>, %arg4: memref<4096x256xf32, #tpu.memory_space<hbm>>, %arg5: memref<4x32xi32, #tpu.memory_space<vmem>>, %arg6: memref<4x32x256xf32, #tpu.memory_space<vmem>>, %arg7: memref<!tpu.dma_semaphore, #tpu.memory_space<semaphore_mem>>, %arg8: memref<!tpu.dma_semaphore, #tpu.memory_space<semaphore_mem>>, %arg9: memref<!tpu.dma_semaphore, #tpu.memory_space<semaphore_mem>>, %arg10: memref<!tpu.dma_semaphore, #tpu.memory_space<semaphore_mem>>, %arg11: memref<!tpu.dma_semaphore, #tpu.memory_space<semaphore_mem>>) attributes {dimension_semantics = [#tpu.dimension_semantics<core_parallel>, #tpu.dimension_semantics<subcore_parallel>], iteration_bounds = array<i64: 2, 16>, scalar_prefetch = 0 : i64, scratch_operands = 7 : i64, tpu.core_type = #tpu.core_type<sc_vector_subcore>, window_params = [{transform_indices = #map}, {transform_indices = #map1}, {transform_indices = #map1}]} {
    %mul3A = arith.constant 2 : i32
    %mul3A_0 = arith.muli %arg1, %mul3A : i32
    %add3A = arith.addi %mul3A_0, %arg0 : i32
    %mul3A_1 = arith.constant 128 : i32
    %mul3A_2 = arith.muli %add3A, %mul3A_1 : i32
    "tpu.region"() ({
      %run_scoped3A = tpu.sem_alloc : memref<!tpu.dma_semaphore, #tpu.memory_space<semaphore_mem>>
      %dma_start3A_209 = arith.constant 0 : i32
      %dma_start3A_210 = arith.constant 0 : i32
      %dma_start3A_211 = tpu.memref_slice %arg2[%add3A, %dma_start3A_209, %dma_start3A_210] : memref<32x4x32xi32, #tpu.memory_space<hbm>> -> memref<1x4x32xi32, #tpu.memory_space<hbm>>
      %dma_start3A_212 = tpu.memref_squeeze %dma_start3A_211 : memref<1x4x32xi32, #tpu.memory_space<hbm>> -> memref<4x32xi32, #tpu.memory_space<hbm>>
      %dma_start3A_213 = arith.constant 0 : i32
      %dma_start3A_214 = arith.constant 0 : i32
      %dma_start3A_215 = tpu.memref_slice %arg2[%add3A, %dma_start3A_213, %dma_start3A_214] : memref<32x4x32xi32, #tpu.memory_space<hbm>> -> memref<1x4x32xi32, #tpu.memory_space<hbm>>
      %dma_start3A_216 = tpu.memref_squeeze %dma_start3A_215 : memref<1x4x32xi32, #tpu.memory_space<hbm>> -> memref<4x32xi32, #tpu.memory_space<hbm>>
      tpu.enqueue_dma source(%dma_start3A_216 : memref<4x32xi32, #tpu.memory_space<hbm>>) target(%arg5 : memref<4x32xi32, #tpu.memory_space<vmem>>) target_semaphore(%run_scoped3A : memref<!tpu.dma_semaphore, #tpu.memory_space<semaphore_mem>>)
      %dma_wait3A_217 = arith.constant 0 : i32
      %dma_wait3A_218 = arith.constant 0 : i32
      %dma_wait3A_219 = tpu.memref_slice %arg2[%add3A, %dma_wait3A_217, %dma_wait3A_218] : memref<32x4x32xi32, #tpu.memory_space<hbm>> -> memref<1x4x32xi32, #tpu.memory_space<hbm>>
      %dma_wait3A_220 = tpu.memref_squeeze %dma_wait3A_219 : memref<1x4x32xi32, #tpu.memory_space<hbm>> -> memref<4x32xi32, #tpu.memory_space<hbm>>
      %dma_wait3A_221 = arith.constant 0 : i32
      %dma_wait3A_222 = arith.constant 0 : i32
      %dma_wait3A_223 = tpu.memref_slice %arg2[%add3A, %dma_wait3A_221, %dma_wait3A_222] : memref<32x4x32xi32, #tpu.memory_space<hbm>> -> memref<1x4x32xi32, #tpu.memory_space<hbm>>
      %dma_wait3A_224 = tpu.memref_squeeze %dma_wait3A_223 : memref<1x4x32xi32, #tpu.memory_space<hbm>> -> memref<4x32xi32, #tpu.memory_space<hbm>>
      tpu.wait_dma2 semaphore(%run_scoped3A : memref<!tpu.dma_semaphore, #tpu.memory_space<semaphore_mem>>) src(%dma_wait3A_224 : memref<4x32xi32, #tpu.memory_space<hbm>>) dst(%arg5 : memref<4x32xi32, #tpu.memory_space<vmem>>)
      tpu.yield
    }) : () -> ()
    %dma_start3A = arith.constant 0 : i32
    %dma_start3A_3 = arith.constant 0 : i32
    %dma_start3A_4 = arith.constant 0 : i32
    %dma_start3A_5 = arith.constant 0 : i32
    %dma_start3A_6 = tpu.memref_slice %arg6[%dma_start3A_3, %dma_start3A_4, %dma_start3A_5] : memref<4x32x256xf32, #tpu.memory_space<vmem>> -> memref<1x32x256xf32, #tpu.memory_space<vmem>>
    %dma_start3A_7 = tpu.memref_squeeze %dma_start3A_6 : memref<1x32x256xf32, #tpu.memory_space<vmem>> -> memref<32x256xf32, #tpu.memory_space<vmem>>
    %dma_start3A_8 = arith.constant 0 : i32
    %dma_start3A_9 = tpu.memref_slice %arg5[%dma_start3A, %dma_start3A_8] : memref<4x32xi32, #tpu.memory_space<vmem>> -> memref<1x32xi32, #tpu.memory_space<vmem>>
    %dma_start3A_10 = tpu.memref_squeeze %dma_start3A_9 : memref<1x32xi32, #tpu.memory_space<vmem>> -> memref<32xi32, #tpu.memory_space<vmem>>
    %dma_start3A_11 = arith.constant 0 : i32
    %dma_start3A_12 = arith.constant 0 : i32
    %dma_start3A_13 = tpu.memref_slice %arg3[%dma_start3A_11, %dma_start3A_12] : memref<8192x256xf32, #tpu.memory_space<hbm>> -> memref<8192x256xf32, #tpu.memory_space<hbm>>
    tpu.enqueue_indirect_dma source(%dma_start3A_13 : memref<8192x256xf32, #tpu.memory_space<hbm>>) target(%dma_start3A_7 : memref<32x256xf32, #tpu.memory_space<vmem>>) offsets(%dma_start3A_10 : memref<32xi32, #tpu.memory_space<vmem>>) semaphore(%arg7 : memref<!tpu.dma_semaphore, #tpu.memory_space<semaphore_mem>>)
    %dma_start3A_14 = arith.constant 1 : i32
    %dma_start3A_15 = arith.constant 1 : i32
    %dma_start3A_16 = arith.constant 0 : i32
    %dma_start3A_17 = arith.constant 0 : i32
    %dma_start3A_18 = tpu.memref_slice %arg6[%dma_start3A_15, %dma_start3A_16, %dma_start3A_17] : memref<4x32x256xf32, #tpu.memory_space<vmem>> -> memref<1x32x256xf32, #tpu.memory_space<vmem>>
    %dma_start3A_19 = tpu.memref_squeeze %dma_start3A_18 : memref<1x32x256xf32, #tpu.memory_space<vmem>> -> memref<32x256xf32, #tpu.memory_space<vmem>>
    %dma_start3A_20 = arith.constant 0 : i32
    %dma_start3A_21 = tpu.memref_slice %arg5[%dma_start3A_14, %dma_start3A_20] : memref<4x32xi32, #tpu.memory_space<vmem>> -> memref<1x32xi32, #tpu.memory_space<vmem>>
    %dma_start3A_22 = tpu.memref_squeeze %dma_start3A_21 : memref<1x32xi32, #tpu.memory_space<vmem>> -> memref<32xi32, #tpu.memory_space<vmem>>
    %dma_start3A_23 = arith.constant 0 : i32
    %dma_start3A_24 = arith.constant 0 : i32
    %dma_start3A_25 = tpu.memref_slice %arg3[%dma_start3A_23, %dma_start3A_24] : memref<8192x256xf32, #tpu.memory_space<hbm>> -> memref<8192x256xf32, #tpu.memory_space<hbm>>
    tpu.enqueue_indirect_dma source(%dma_start3A_25 : memref<8192x256xf32, #tpu.memory_space<hbm>>) target(%dma_start3A_19 : memref<32x256xf32, #tpu.memory_space<vmem>>) offsets(%dma_start3A_22 : memref<32xi32, #tpu.memory_space<vmem>>) semaphore(%arg8 : memref<!tpu.dma_semaphore, #tpu.memory_space<semaphore_mem>>)
    %dma_start3A_26 = arith.constant 2 : i32
    %dma_start3A_27 = arith.constant 2 : i32
    %dma_start3A_28 = arith.constant 0 : i32
    %dma_start3A_29 = arith.constant 0 : i32
    %dma_start3A_30 = tpu.memref_slice %arg6[%dma_start3A_27, %dma_start3A_28, %dma_start3A_29] : memref<4x32x256xf32, #tpu.memory_space<vmem>> -> memref<1x32x256xf32, #tpu.memory_space<vmem>>
    %dma_start3A_31 = tpu.memref_squeeze %dma_start3A_30 : memref<1x32x256xf32, #tpu.memory_space<vmem>> -> memref<32x256xf32, #tpu.memory_space<vmem>>
    %dma_start3A_32 = arith.constant 0 : i32
    %dma_start3A_33 = tpu.memref_slice %arg5[%dma_start3A_26, %dma_start3A_32] : memref<4x32xi32, #tpu.memory_space<vmem>> -> memref<1x32xi32, #tpu.memory_space<vmem>>
    %dma_start3A_34 = tpu.memref_squeeze %dma_start3A_33 : memref<1x32xi32, #tpu.memory_space<vmem>> -> memref<32xi32, #tpu.memory_space<vmem>>
    %dma_start3A_35 = arith.constant 0 : i32
    %dma_start3A_36 = arith.constant 0 : i32
    %dma_start3A_37 = tpu.memref_slice %arg3[%dma_start3A_35, %dma_start3A_36] : memref<8192x256xf32, #tpu.memory_space<hbm>> -> memref<8192x256xf32, #tpu.memory_space<hbm>>
    tpu.enqueue_indirect_dma source(%dma_start3A_37 : memref<8192x256xf32, #tpu.memory_space<hbm>>) target(%dma_start3A_31 : memref<32x256xf32, #tpu.memory_space<vmem>>) offsets(%dma_start3A_34 : memref<32xi32, #tpu.memory_space<vmem>>) semaphore(%arg9 : memref<!tpu.dma_semaphore, #tpu.memory_space<semaphore_mem>>)
    %dma_start3A_38 = arith.constant 3 : i32
    %dma_start3A_39 = arith.constant 3 : i32
    %dma_start3A_40 = arith.constant 0 : i32
    %dma_start3A_41 = arith.constant 0 : i32
    %dma_start3A_42 = tpu.memref_slice %arg6[%dma_start3A_39, %dma_start3A_40, %dma_start3A_41] : memref<4x32x256xf32, #tpu.memory_space<vmem>> -> memref<1x32x256xf32, #tpu.memory_space<vmem>>
    %dma_start3A_43 = tpu.memref_squeeze %dma_start3A_42 : memref<1x32x256xf32, #tpu.memory_space<vmem>> -> memref<32x256xf32, #tpu.memory_space<vmem>>
    %dma_start3A_44 = arith.constant 0 : i32
    %dma_start3A_45 = tpu.memref_slice %arg5[%dma_start3A_38, %dma_start3A_44] : memref<4x32xi32, #tpu.memory_space<vmem>> -> memref<1x32xi32, #tpu.memory_space<vmem>>
    %dma_start3A_46 = tpu.memref_squeeze %dma_start3A_45 : memref<1x32xi32, #tpu.memory_space<vmem>> -> memref<32xi32, #tpu.memory_space<vmem>>
    %dma_start3A_47 = arith.constant 0 : i32
    %dma_start3A_48 = arith.constant 0 : i32
    %dma_start3A_49 = tpu.memref_slice %arg3[%dma_start3A_47, %dma_start3A_48] : memref<8192x256xf32, #tpu.memory_space<hbm>> -> memref<8192x256xf32, #tpu.memory_space<hbm>>
    tpu.enqueue_indirect_dma source(%dma_start3A_49 : memref<8192x256xf32, #tpu.memory_space<hbm>>) target(%dma_start3A_43 : memref<32x256xf32, #tpu.memory_space<vmem>>) offsets(%dma_start3A_46 : memref<32xi32, #tpu.memory_space<vmem>>) semaphore(%arg10 : memref<!tpu.dma_semaphore, #tpu.memory_space<semaphore_mem>>)
    %dma_wait3A = arith.constant 0 : i32
    %dma_wait3A_50 = arith.constant 0 : i32
    %dma_wait3A_51 = arith.constant 0 : i32
    %dma_wait3A_52 = arith.constant 0 : i32
    %dma_wait3A_53 = tpu.memref_slice %arg6[%dma_wait3A_50, %dma_wait3A_51, %dma_wait3A_52] : memref<4x32x256xf32, #tpu.memory_space<vmem>> -> memref<1x32x256xf32, #tpu.memory_space<vmem>>
    %dma_wait3A_54 = tpu.memref_squeeze %dma_wait3A_53 : memref<1x32x256xf32, #tpu.memory_space<vmem>> -> memref<32x256xf32, #tpu.memory_space<vmem>>
    %dma_wait3A_55 = arith.constant 0 : i32
    %dma_wait3A_56 = tpu.memref_slice %arg5[%dma_wait3A, %dma_wait3A_55] : memref<4x32xi32, #tpu.memory_space<vmem>> -> memref<1x32xi32, #tpu.memory_space<vmem>>
    %dma_wait3A_57 = tpu.memref_squeeze %dma_wait3A_56 : memref<1x32xi32, #tpu.memory_space<vmem>> -> memref<32xi32, #tpu.memory_space<vmem>>
    %dma_wait3A_58 = arith.constant 0 : i32
    %dma_wait3A_59 = arith.constant 0 : i32
    %dma_wait3A_60 = tpu.memref_slice %arg3[%dma_wait3A_58, %dma_wait3A_59] : memref<8192x256xf32, #tpu.memory_space<hbm>> -> memref<8192x256xf32, #tpu.memory_space<hbm>>
    tpu.wait_indirect_dma semaphore(%arg7 : memref<!tpu.dma_semaphore, #tpu.memory_space<semaphore_mem>>) src(%dma_wait3A_60 : memref<8192x256xf32, #tpu.memory_space<hbm>>) dst(%dma_wait3A_54 : memref<32x256xf32, #tpu.memory_space<vmem>>)
    %add3A_61 = arith.constant 0 : i32
    %add3A_62 = arith.addi %mul3A_2, %add3A_61 : i32
    %dma_start3A_63 = arith.constant 0 : i32
    %dma_start3A_64 = arith.constant 0 : i32
    %dma_start3A_65 = arith.constant 0 : i32
    %dma_start3A_66 = tpu.memref_slice %arg6[%dma_start3A_63, %dma_start3A_64, %dma_start3A_65] : memref<4x32x256xf32, #tpu.memory_space<vmem>> -> memref<1x32x256xf32, #tpu.memory_space<vmem>>
    %dma_start3A_67 = tpu.memref_squeeze %dma_start3A_66 : memref<1x32x256xf32, #tpu.memory_space<vmem>> -> memref<32x256xf32, #tpu.memory_space<vmem>>
    %dma_start3A_68 = arith.constant 0 : i32
    %dma_start3A_69 = tpu.memref_slice %arg4[%add3A_62, %dma_start3A_68] : memref<4096x256xf32, #tpu.memory_space<hbm>> -> memref<32x256xf32, #tpu.memory_space<hbm>>
    %dma_start3A_70 = arith.constant 0 : i32
    %dma_start3A_71 = tpu.memref_slice %arg4[%add3A_62, %dma_start3A_70] : memref<4096x256xf32, #tpu.memory_space<hbm>> -> memref<32x256xf32, #tpu.memory_space<hbm>>
    %dma_start3A_72 = arith.constant 0 : i32
    %dma_start3A_73 = arith.constant 0 : i32
    %dma_start3A_74 = tpu.memref_slice %arg6[%dma_start3A_63, %dma_start3A_72, %dma_start3A_73] : memref<4x32x256xf32, #tpu.memory_space<vmem>> -> memref<1x32x256xf32, #tpu.memory_space<vmem>>
    %dma_start3A_75 = tpu.memref_squeeze %dma_start3A_74 : memref<1x32x256xf32, #tpu.memory_space<vmem>> -> memref<32x256xf32, #tpu.memory_space<vmem>>
    tpu.enqueue_dma source(%dma_start3A_75 : memref<32x256xf32, #tpu.memory_space<vmem>>) target(%dma_start3A_71 : memref<32x256xf32, #tpu.memory_space<hbm>>) target_semaphore(%arg11 : memref<!tpu.dma_semaphore, #tpu.memory_space<semaphore_mem>>)
    %dma_wait3A_76 = arith.constant 1 : i32
    %dma_wait3A_77 = arith.constant 1 : i32
    %dma_wait3A_78 = arith.constant 0 : i32
    %dma_wait3A_79 = arith.constant 0 : i32
    %dma_wait3A_80 = tpu.memref_slice %arg6[%dma_wait3A_77, %dma_wait3A_78, %dma_wait3A_79] : memref<4x32x256xf32, #tpu.memory_space<vmem>> -> memref<1x32x256xf32, #tpu.memory_space<vmem>>
    %dma_wait3A_81 = tpu.memref_squeeze %dma_wait3A_80 : memref<1x32x256xf32, #tpu.memory_space<vmem>> -> memref<32x256xf32, #tpu.memory_space<vmem>>
    %dma_wait3A_82 = arith.constant 0 : i32
    %dma_wait3A_83 = tpu.memref_slice %arg5[%dma_wait3A_76, %dma_wait3A_82] : memref<4x32xi32, #tpu.memory_space<vmem>> -> memref<1x32xi32, #tpu.memory_space<vmem>>
    %dma_wait3A_84 = tpu.memref_squeeze %dma_wait3A_83 : memref<1x32xi32, #tpu.memory_space<vmem>> -> memref<32xi32, #tpu.memory_space<vmem>>
    %dma_wait3A_85 = arith.constant 0 : i32
    %dma_wait3A_86 = arith.constant 0 : i32
    %dma_wait3A_87 = tpu.memref_slice %arg3[%dma_wait3A_85, %dma_wait3A_86] : memref<8192x256xf32, #tpu.memory_space<hbm>> -> memref<8192x256xf32, #tpu.memory_space<hbm>>
    tpu.wait_indirect_dma semaphore(%arg8 : memref<!tpu.dma_semaphore, #tpu.memory_space<semaphore_mem>>) src(%dma_wait3A_87 : memref<8192x256xf32, #tpu.memory_space<hbm>>) dst(%dma_wait3A_81 : memref<32x256xf32, #tpu.memory_space<vmem>>)
    %add3A_88 = arith.constant 32 : i32
    %add3A_89 = arith.addi %mul3A_2, %add3A_88 : i32
    %dma_start3A_90 = arith.constant 1 : i32
    %dma_start3A_91 = arith.constant 0 : i32
    %dma_start3A_92 = arith.constant 0 : i32
    %dma_start3A_93 = tpu.memref_slice %arg6[%dma_start3A_90, %dma_start3A_91, %dma_start3A_92] : memref<4x32x256xf32, #tpu.memory_space<vmem>> -> memref<1x32x256xf32, #tpu.memory_space<vmem>>
    %dma_start3A_94 = tpu.memref_squeeze %dma_start3A_93 : memref<1x32x256xf32, #tpu.memory_space<vmem>> -> memref<32x256xf32, #tpu.memory_space<vmem>>
    %dma_start3A_95 = arith.constant 0 : i32
    %dma_start3A_96 = tpu.memref_slice %arg4[%add3A_89, %dma_start3A_95] : memref<4096x256xf32, #tpu.memory_space<hbm>> -> memref<32x256xf32, #tpu.memory_space<hbm>>
    %dma_start3A_97 = arith.constant 0 : i32
    %dma_start3A_98 = tpu.memref_slice %arg4[%add3A_89, %dma_start3A_97] : memref<4096x256xf32, #tpu.memory_space<hbm>> -> memref<32x256xf32, #tpu.memory_space<hbm>>
    %dma_start3A_99 = arith.constant 0 : i32
    %dma_start3A_100 = arith.constant 0 : i32
    %dma_start3A_101 = tpu.memref_slice %arg6[%dma_start3A_90, %dma_start3A_99, %dma_start3A_100] : memref<4x32x256xf32, #tpu.memory_space<vmem>> -> memref<1x32x256xf32, #tpu.memory_space<vmem>>
    %dma_start3A_102 = tpu.memref_squeeze %dma_start3A_101 : memref<1x32x256xf32, #tpu.memory_space<vmem>> -> memref<32x256xf32, #tpu.memory_space<vmem>>
    tpu.enqueue_dma source(%dma_start3A_102 : memref<32x256xf32, #tpu.memory_space<vmem>>) target(%dma_start3A_98 : memref<32x256xf32, #tpu.memory_space<hbm>>) target_semaphore(%arg11 : memref<!tpu.dma_semaphore, #tpu.memory_space<semaphore_mem>>)
    %dma_wait3A_103 = arith.constant 2 : i32
    %dma_wait3A_104 = arith.constant 2 : i32
    %dma_wait3A_105 = arith.constant 0 : i32
    %dma_wait3A_106 = arith.constant 0 : i32
    %dma_wait3A_107 = tpu.memref_slice %arg6[%dma_wait3A_104, %dma_wait3A_105, %dma_wait3A_106] : memref<4x32x256xf32, #tpu.memory_space<vmem>> -> memref<1x32x256xf32, #tpu.memory_space<vmem>>
    %dma_wait3A_108 = tpu.memref_squeeze %dma_wait3A_107 : memref<1x32x256xf32, #tpu.memory_space<vmem>> -> memref<32x256xf32, #tpu.memory_space<vmem>>
    %dma_wait3A_109 = arith.constant 0 : i32
    %dma_wait3A_110 = tpu.memref_slice %arg5[%dma_wait3A_103, %dma_wait3A_109] : memref<4x32xi32, #tpu.memory_space<vmem>> -> memref<1x32xi32, #tpu.memory_space<vmem>>
    %dma_wait3A_111 = tpu.memref_squeeze %dma_wait3A_110 : memref<1x32xi32, #tpu.memory_space<vmem>> -> memref<32xi32, #tpu.memory_space<vmem>>
    %dma_wait3A_112 = arith.constant 0 : i32
    %dma_wait3A_113 = arith.constant 0 : i32
    %dma_wait3A_114 = tpu.memref_slice %arg3[%dma_wait3A_112, %dma_wait3A_113] : memref<8192x256xf32, #tpu.memory_space<hbm>> -> memref<8192x256xf32, #tpu.memory_space<hbm>>
    tpu.wait_indirect_dma semaphore(%arg9 : memref<!tpu.dma_semaphore, #tpu.memory_space<semaphore_mem>>) src(%dma_wait3A_114 : memref<8192x256xf32, #tpu.memory_space<hbm>>) dst(%dma_wait3A_108 : memref<32x256xf32, #tpu.memory_space<vmem>>)
    %add3A_115 = arith.constant 64 : i32
    %add3A_116 = arith.addi %mul3A_2, %add3A_115 : i32
    %dma_start3A_117 = arith.constant 2 : i32
    %dma_start3A_118 = arith.constant 0 : i32
    %dma_start3A_119 = arith.constant 0 : i32
    %dma_start3A_120 = tpu.memref_slice %arg6[%dma_start3A_117, %dma_start3A_118, %dma_start3A_119] : memref<4x32x256xf32, #tpu.memory_space<vmem>> -> memref<1x32x256xf32, #tpu.memory_space<vmem>>
    %dma_start3A_121 = tpu.memref_squeeze %dma_start3A_120 : memref<1x32x256xf32, #tpu.memory_space<vmem>> -> memref<32x256xf32, #tpu.memory_space<vmem>>
    %dma_start3A_122 = arith.constant 0 : i32
    %dma_start3A_123 = tpu.memref_slice %arg4[%add3A_116, %dma_start3A_122] : memref<4096x256xf32, #tpu.memory_space<hbm>> -> memref<32x256xf32, #tpu.memory_space<hbm>>
    %dma_start3A_124 = arith.constant 0 : i32
    %dma_start3A_125 = tpu.memref_slice %arg4[%add3A_116, %dma_start3A_124] : memref<4096x256xf32, #tpu.memory_space<hbm>> -> memref<32x256xf32, #tpu.memory_space<hbm>>
    %dma_start3A_126 = arith.constant 0 : i32
    %dma_start3A_127 = arith.constant 0 : i32
    %dma_start3A_128 = tpu.memref_slice %arg6[%dma_start3A_117, %dma_start3A_126, %dma_start3A_127] : memref<4x32x256xf32, #tpu.memory_space<vmem>> -> memref<1x32x256xf32, #tpu.memory_space<vmem>>
    %dma_start3A_129 = tpu.memref_squeeze %dma_start3A_128 : memref<1x32x256xf32, #tpu.memory_space<vmem>> -> memref<32x256xf32, #tpu.memory_space<vmem>>
    tpu.enqueue_dma source(%dma_start3A_129 : memref<32x256xf32, #tpu.memory_space<vmem>>) target(%dma_start3A_125 : memref<32x256xf32, #tpu.memory_space<hbm>>) target_semaphore(%arg11 : memref<!tpu.dma_semaphore, #tpu.memory_space<semaphore_mem>>)
    %dma_wait3A_130 = arith.constant 3 : i32
    %dma_wait3A_131 = arith.constant 3 : i32
    %dma_wait3A_132 = arith.constant 0 : i32
    %dma_wait3A_133 = arith.constant 0 : i32
    %dma_wait3A_134 = tpu.memref_slice %arg6[%dma_wait3A_131, %dma_wait3A_132, %dma_wait3A_133] : memref<4x32x256xf32, #tpu.memory_space<vmem>> -> memref<1x32x256xf32, #tpu.memory_space<vmem>>
    %dma_wait3A_135 = tpu.memref_squeeze %dma_wait3A_134 : memref<1x32x256xf32, #tpu.memory_space<vmem>> -> memref<32x256xf32, #tpu.memory_space<vmem>>
    %dma_wait3A_136 = arith.constant 0 : i32
    %dma_wait3A_137 = tpu.memref_slice %arg5[%dma_wait3A_130, %dma_wait3A_136] : memref<4x32xi32, #tpu.memory_space<vmem>> -> memref<1x32xi32, #tpu.memory_space<vmem>>
    %dma_wait3A_138 = tpu.memref_squeeze %dma_wait3A_137 : memref<1x32xi32, #tpu.memory_space<vmem>> -> memref<32xi32, #tpu.memory_space<vmem>>
    %dma_wait3A_139 = arith.constant 0 : i32
    %dma_wait3A_140 = arith.constant 0 : i32
    %dma_wait3A_141 = tpu.memref_slice %arg3[%dma_wait3A_139, %dma_wait3A_140] : memref<8192x256xf32, #tpu.memory_space<hbm>> -> memref<8192x256xf32, #tpu.memory_space<hbm>>
    tpu.wait_indirect_dma semaphore(%arg10 : memref<!tpu.dma_semaphore, #tpu.memory_space<semaphore_mem>>) src(%dma_wait3A_141 : memref<8192x256xf32, #tpu.memory_space<hbm>>) dst(%dma_wait3A_135 : memref<32x256xf32, #tpu.memory_space<vmem>>)
    %add3A_142 = arith.constant 96 : i32
    %add3A_143 = arith.addi %mul3A_2, %add3A_142 : i32
    %dma_start3A_144 = arith.constant 3 : i32
    %dma_start3A_145 = arith.constant 0 : i32
    %dma_start3A_146 = arith.constant 0 : i32
    %dma_start3A_147 = tpu.memref_slice %arg6[%dma_start3A_144, %dma_start3A_145, %dma_start3A_146] : memref<4x32x256xf32, #tpu.memory_space<vmem>> -> memref<1x32x256xf32, #tpu.memory_space<vmem>>
    %dma_start3A_148 = tpu.memref_squeeze %dma_start3A_147 : memref<1x32x256xf32, #tpu.memory_space<vmem>> -> memref<32x256xf32, #tpu.memory_space<vmem>>
    %dma_start3A_149 = arith.constant 0 : i32
    %dma_start3A_150 = tpu.memref_slice %arg4[%add3A_143, %dma_start3A_149] : memref<4096x256xf32, #tpu.memory_space<hbm>> -> memref<32x256xf32, #tpu.memory_space<hbm>>
    %dma_start3A_151 = arith.constant 0 : i32
    %dma_start3A_152 = tpu.memref_slice %arg4[%add3A_143, %dma_start3A_151] : memref<4096x256xf32, #tpu.memory_space<hbm>> -> memref<32x256xf32, #tpu.memory_space<hbm>>
    %dma_start3A_153 = arith.constant 0 : i32
    %dma_start3A_154 = arith.constant 0 : i32
    %dma_start3A_155 = tpu.memref_slice %arg6[%dma_start3A_144, %dma_start3A_153, %dma_start3A_154] : memref<4x32x256xf32, #tpu.memory_space<vmem>> -> memref<1x32x256xf32, #tpu.memory_space<vmem>>
    %dma_start3A_156 = tpu.memref_squeeze %dma_start3A_155 : memref<1x32x256xf32, #tpu.memory_space<vmem>> -> memref<32x256xf32, #tpu.memory_space<vmem>>
    tpu.enqueue_dma source(%dma_start3A_156 : memref<32x256xf32, #tpu.memory_space<vmem>>) target(%dma_start3A_152 : memref<32x256xf32, #tpu.memory_space<hbm>>) target_semaphore(%arg11 : memref<!tpu.dma_semaphore, #tpu.memory_space<semaphore_mem>>)
    %dma_wait3A_157 = arith.constant 0 : i32
    %dma_wait3A_158 = arith.constant 0 : i32
    %dma_wait3A_159 = arith.constant 0 : i32
    %dma_wait3A_160 = tpu.memref_slice %arg6[%dma_wait3A_157, %dma_wait3A_158, %dma_wait3A_159] : memref<4x32x256xf32, #tpu.memory_space<vmem>> -> memref<1x32x256xf32, #tpu.memory_space<vmem>>
    %dma_wait3A_161 = tpu.memref_squeeze %dma_wait3A_160 : memref<1x32x256xf32, #tpu.memory_space<vmem>> -> memref<32x256xf32, #tpu.memory_space<vmem>>
    %dma_wait3A_162 = arith.constant 0 : i32
    %dma_wait3A_163 = tpu.memref_slice %arg4[%add3A_62, %dma_wait3A_162] : memref<4096x256xf32, #tpu.memory_space<hbm>> -> memref<32x256xf32, #tpu.memory_space<hbm>>
    %dma_wait3A_164 = arith.constant 0 : i32
    %dma_wait3A_165 = tpu.memref_slice %arg4[%add3A_62, %dma_wait3A_164] : memref<4096x256xf32, #tpu.memory_space<hbm>> -> memref<32x256xf32, #tpu.memory_space<hbm>>
    %dma_wait3A_166 = arith.constant 0 : i32
    %dma_wait3A_167 = arith.constant 0 : i32
    %dma_wait3A_168 = tpu.memref_slice %arg6[%dma_wait3A_157, %dma_wait3A_166, %dma_wait3A_167] : memref<4x32x256xf32, #tpu.memory_space<vmem>> -> memref<1x32x256xf32, #tpu.memory_space<vmem>>
    %dma_wait3A_169 = tpu.memref_squeeze %dma_wait3A_168 : memref<1x32x256xf32, #tpu.memory_space<vmem>> -> memref<32x256xf32, #tpu.memory_space<vmem>>
    tpu.wait_dma2 semaphore(%arg11 : memref<!tpu.dma_semaphore, #tpu.memory_space<semaphore_mem>>) src(%dma_wait3A_169 : memref<32x256xf32, #tpu.memory_space<vmem>>) dst(%dma_wait3A_165 : memref<32x256xf32, #tpu.memory_space<hbm>>)
    %dma_wait3A_170 = arith.constant 1 : i32
    %dma_wait3A_171 = arith.constant 0 : i32
    %dma_wait3A_172 = arith.constant 0 : i32
    %dma_wait3A_173 = tpu.memref_slice %arg6[%dma_wait3A_170, %dma_wait3A_171, %dma_wait3A_172] : memref<4x32x256xf32, #tpu.memory_space<vmem>> -> memref<1x32x256xf32, #tpu.memory_space<vmem>>
    %dma_wait3A_174 = tpu.memref_squeeze %dma_wait3A_173 : memref<1x32x256xf32, #tpu.memory_space<vmem>> -> memref<32x256xf32, #tpu.memory_space<vmem>>
    %dma_wait3A_175 = arith.constant 0 : i32
    %dma_wait3A_176 = tpu.memref_slice %arg4[%add3A_89, %dma_wait3A_175] : memref<4096x256xf32, #tpu.memory_space<hbm>> -> memref<32x256xf32, #tpu.memory_space<hbm>>
    %dma_wait3A_177 = arith.constant 0 : i32
    %dma_wait3A_178 = tpu.memref_slice %arg4[%add3A_89, %dma_wait3A_177] : memref<4096x256xf32, #tpu.memory_space<hbm>> -> memref<32x256xf32, #tpu.memory_space<hbm>>
    %dma_wait3A_179 = arith.constant 0 : i32
    %dma_wait3A_180 = arith.constant 0 : i32
    %dma_wait3A_181 = tpu.memref_slice %arg6[%dma_wait3A_170, %dma_wait3A_179, %dma_wait3A_180] : memref<4x32x256xf32, #tpu.memory_space<vmem>> -> memref<1x32x256xf32, #tpu.memory_space<vmem>>
    %dma_wait3A_182 = tpu.memref_squeeze %dma_wait3A_181 : memref<1x32x256xf32, #tpu.memory_space<vmem>> -> memref<32x256xf32, #tpu.memory_space<vmem>>
    tpu.wait_dma2 semaphore(%arg11 : memref<!tpu.dma_semaphore, #tpu.memory_space<semaphore_mem>>) src(%dma_wait3A_182 : memref<32x256xf32, #tpu.memory_space<vmem>>) dst(%dma_wait3A_178 : memref<32x256xf32, #tpu.memory_space<hbm>>)
    %dma_wait3A_183 = arith.constant 2 : i32
    %dma_wait3A_184 = arith.constant 0 : i32
    %dma_wait3A_185 = arith.constant 0 : i32
    %dma_wait3A_186 = tpu.memref_slice %arg6[%dma_wait3A_183, %dma_wait3A_184, %dma_wait3A_185] : memref<4x32x256xf32, #tpu.memory_space<vmem>> -> memref<1x32x256xf32, #tpu.memory_space<vmem>>
    %dma_wait3A_187 = tpu.memref_squeeze %dma_wait3A_186 : memref<1x32x256xf32, #tpu.memory_space<vmem>> -> memref<32x256xf32, #tpu.memory_space<vmem>>
    %dma_wait3A_188 = arith.constant 0 : i32
    %dma_wait3A_189 = tpu.memref_slice %arg4[%add3A_116, %dma_wait3A_188] : memref<4096x256xf32, #tpu.memory_space<hbm>> -> memref<32x256xf32, #tpu.memory_space<hbm>>
    %dma_wait3A_190 = arith.constant 0 : i32
    %dma_wait3A_191 = tpu.memref_slice %arg4[%add3A_116, %dma_wait3A_190] : memref<4096x256xf32, #tpu.memory_space<hbm>> -> memref<32x256xf32, #tpu.memory_space<hbm>>
    %dma_wait3A_192 = arith.constant 0 : i32
    %dma_wait3A_193 = arith.constant 0 : i32
    %dma_wait3A_194 = tpu.memref_slice %arg6[%dma_wait3A_183, %dma_wait3A_192, %dma_wait3A_193] : memref<4x32x256xf32, #tpu.memory_space<vmem>> -> memref<1x32x256xf32, #tpu.memory_space<vmem>>
    %dma_wait3A_195 = tpu.memref_squeeze %dma_wait3A_194 : memref<1x32x256xf32, #tpu.memory_space<vmem>> -> memref<32x256xf32, #tpu.memory_space<vmem>>
    tpu.wait_dma2 semaphore(%arg11 : memref<!tpu.dma_semaphore, #tpu.memory_space<semaphore_mem>>) src(%dma_wait3A_195 : memref<32x256xf32, #tpu.memory_space<vmem>>) dst(%dma_wait3A_191 : memref<32x256xf32, #tpu.memory_space<hbm>>)
    %dma_wait3A_196 = arith.constant 3 : i32
    %dma_wait3A_197 = arith.constant 0 : i32
    %dma_wait3A_198 = arith.constant 0 : i32
    %dma_wait3A_199 = tpu.memref_slice %arg6[%dma_wait3A_196, %dma_wait3A_197, %dma_wait3A_198] : memref<4x32x256xf32, #tpu.memory_space<vmem>> -> memref<1x32x256xf32, #tpu.memory_space<vmem>>
    %dma_wait3A_200 = tpu.memref_squeeze %dma_wait3A_199 : memref<1x32x256xf32, #tpu.memory_space<vmem>> -> memref<32x256xf32, #tpu.memory_space<vmem>>
    %dma_wait3A_201 = arith.constant 0 : i32
    %dma_wait3A_202 = tpu.memref_slice %arg4[%add3A_143, %dma_wait3A_201] : memref<4096x256xf32, #tpu.memory_space<hbm>> -> memref<32x256xf32, #tpu.memory_space<hbm>>
    %dma_wait3A_203 = arith.constant 0 : i32
    %dma_wait3A_204 = tpu.memref_slice %arg4[%add3A_143, %dma_wait3A_203] : memref<4096x256xf32, #tpu.memory_space<hbm>> -> memref<32x256xf32, #tpu.memory_space<hbm>>
    %dma_wait3A_205 = arith.constant 0 : i32
    %dma_wait3A_206 = arith.constant 0 : i32
    %dma_wait3A_207 = tpu.memref_slice %arg6[%dma_wait3A_196, %dma_wait3A_205, %dma_wait3A_206] : memref<4x32x256xf32, #tpu.memory_space<vmem>> -> memref<1x32x256xf32, #tpu.memory_space<vmem>>
    %dma_wait3A_208 = tpu.memref_squeeze %dma_wait3A_207 : memref<1x32x256xf32, #tpu.memory_space<vmem>> -> memref<32x256xf32, #tpu.memory_space<vmem>>
    tpu.wait_dma2 semaphore(%arg11 : memref<!tpu.dma_semaphore, #tpu.memory_space<semaphore_mem>>) src(%dma_wait3A_208 : memref<32x256xf32, #tpu.memory_space<vmem>>) dst(%dma_wait3A_204 : memref<32x256xf32, #tpu.memory_space<hbm>>)
    return
  }
}

module attributes {stable_mosaic.version = 14 : i64} {
  func.func @_argmax_body(%arg0: i32, %arg1: memref<512x384xf32, #tpu.memory_space<vmem>>, %arg2: memref<8192x384xf32, #tpu.memory_space<vmem>>, %arg3: memref<512x1xf32, #tpu.memory_space<vmem>>, %arg4: memref<1x8192xf32, #tpu.memory_space<vmem>>, %arg5: memref<1x512x1xi32, #tpu.memory_space<vmem>>) attributes {dimension_semantics = [#tpu.dimension_semantics<arbitrary>], iteration_bounds = array<i64: 8>, scalar_prefetch = 0 : i64, scratch_operands = 0 : i64, tpu.core_type = #tpu.core_type<tc>, window_params = [{transform_indices = @transform_0, window_bounds = array<i64: 512, 384>}, {pipeline_mode = #tpu.pipeline_mode<synchronous>, transform_indices = @transform_1, window_bounds = array<i64: 8192, 384>}, {transform_indices = @transform_2, window_bounds = array<i64: 512, 1>}, {pipeline_mode = #tpu.pipeline_mode<synchronous>, transform_indices = @transform_3, window_bounds = array<i64: 1, 8192>}, {transform_indices = @transform_4, window_bounds = array<i64: 1, 512, 1>}]} {
    %get3A = arith.constant 0 : index
    %get3A_0 = arith.constant 0 : index
    %get3A_1 = vector.load %arg1[%get3A, %get3A_0] : memref<512x384xf32, #tpu.memory_space<vmem>>, vector<512x384xf32>
    %mul3A = arith.constant 2.000000e+00 : f32
    %mul3A_2 = vector.broadcast %mul3A : f32 to vector<512x384xf32>
    %mul3A_3 = arith.mulf %get3A_1, %mul3A_2 : vector<512x384xf32>
    %get3A_4 = arith.constant 0 : index
    %get3A_5 = arith.constant 0 : index
    %get3A_6 = vector.load %arg3[%get3A_4, %get3A_5] : memref<512x1xf32, #tpu.memory_space<vmem>>, vector<512x1xf32>
    %iota3A = tpu.iota {dimensions = array<i32: 1>} : vector<1x1024xi32>
    %convert_element_type3A = arith.sitofp %iota3A : vector<1x1024xi32> to vector<1x1024xf32>
    %get3A_7 = arith.constant 0 : index
    %get3A_8 = arith.constant 0 : index
    %get3A_9 = vector.load %arg2[%get3A_7, %get3A_8] : memref<8192x384xf32, #tpu.memory_space<vmem>>, vector<1024x384xf32>
    %dot_general3A = arith.constant dense<0.000000e+00> : vector<512x1024xf32>
    %dot_general3A_10 = tpu.matmul %mul3A_3, %get3A_9, %dot_general3A {dimension_numbers = #tpu.dot_dimension_numbers<[1], [1], [0], [0], [0, 0, 1, 0], [], []>, transpose_lhs_hint = false} : vector<512x384xf32>, vector<1024x384xf32>, vector<512x1024xf32> -> vector<512x1024xf32>
    %sub3A = vector.broadcast %get3A_6 : vector<512x1xf32> to vector<512x1024xf32>
    %sub3A_11 = arith.subf %sub3A, %dot_general3A_10 : vector<512x1024xf32>
    %get3A_12 = arith.constant 0 : index
    %get3A_13 = arith.constant 0 : index
    %get3A_14 = vector.load %arg4[%get3A_12, %get3A_13] : memref<1x8192xf32, #tpu.memory_space<vmem>>, vector<1x1024xf32>
    %add3A = vector.broadcast %get3A_14 : vector<1x1024xf32> to vector<512x1024xf32>
    %add3A_15 = arith.addf %sub3A_11, %add3A : vector<512x1024xf32>
    %reduce_min3A = arith.constant dense<0x7F800000> : vector<512xf32>
    %reduce_min3A_16 = vector.multi_reduction <minimumf>, %add3A_15, %reduce_min3A [1] : vector<512x1024xf32> to vector<512xf32>
    %broadcast_in_dim3A = vector.shape_cast %reduce_min3A_16 : vector<512xf32> to vector<512x1xf32>
    %eq3A = vector.broadcast %broadcast_in_dim3A : vector<512x1xf32> to vector<512x1024xf32>
    %eq3A_17 = arith.cmpf oeq, %add3A_15, %eq3A : vector<512x1024xf32>
    %jit3A = arith.constant 1.07374182E+9 : f32
    %broadcast_in_dim3A_18 = vector.shape_cast %convert_element_type3A : vector<1x1024xf32> to vector<1x1024xf32>
    %broadcast_in_dim3A_19 = vector.broadcast %broadcast_in_dim3A_18 : vector<1x1024xf32> to vector<512x1024xf32>
    %broadcast_in_dim3A_20 = vector.broadcast %jit3A : f32 to vector<512x1024xf32>
    %select_n3A = arith.select %eq3A_17, %broadcast_in_dim3A_19, %broadcast_in_dim3A_20 : vector<512x1024xi1>, vector<512x1024xf32>
    %reduce_min3A_21 = arith.constant dense<0x7F800000> : vector<512xf32>
    %reduce_min3A_22 = vector.multi_reduction <minimumf>, %select_n3A, %reduce_min3A_21 [1] : vector<512x1024xf32> to vector<512xf32>
    %broadcast_in_dim3A_23 = vector.shape_cast %reduce_min3A_22 : vector<512xf32> to vector<512x1xf32>
    %convert_element_type3A_24 = arith.fptosi %broadcast_in_dim3A_23 : vector<512x1xf32> to vector<512x1xi32>
    %add3A_25 = arith.constant 0 : i32
    %add3A_26 = vector.broadcast %add3A_25 : i32 to vector<512x1xi32>
    %add3A_27 = arith.addi %convert_element_type3A_24, %add3A_26 : vector<512x1xi32>
    %get3A_28 = arith.constant 1024 : index
    %get3A_29 = arith.constant 0 : index
    %get3A_30 = vector.load %arg2[%get3A_28, %get3A_29] : memref<8192x384xf32, #tpu.memory_space<vmem>>, vector<1024x384xf32>
    %dot_general3A_31 = arith.constant dense<0.000000e+00> : vector<512x1024xf32>
    %dot_general3A_32 = tpu.matmul %mul3A_3, %get3A_30, %dot_general3A_31 {dimension_numbers = #tpu.dot_dimension_numbers<[1], [1], [0], [0], [0, 0, 1, 0], [], []>, transpose_lhs_hint = false} : vector<512x384xf32>, vector<1024x384xf32>, vector<512x1024xf32> -> vector<512x1024xf32>
    %sub3A_33 = vector.broadcast %get3A_6 : vector<512x1xf32> to vector<512x1024xf32>
    %sub3A_34 = arith.subf %sub3A_33, %dot_general3A_32 : vector<512x1024xf32>
    %get3A_35 = arith.constant 0 : index
    %get3A_36 = arith.constant 1024 : index
    %get3A_37 = vector.load %arg4[%get3A_35, %get3A_36] : memref<1x8192xf32, #tpu.memory_space<vmem>>, vector<1x1024xf32>
    %add3A_38 = vector.broadcast %get3A_37 : vector<1x1024xf32> to vector<512x1024xf32>
    %add3A_39 = arith.addf %sub3A_34, %add3A_38 : vector<512x1024xf32>
    %reduce_min3A_40 = arith.constant dense<0x7F800000> : vector<512xf32>
    %reduce_min3A_41 = vector.multi_reduction <minimumf>, %add3A_39, %reduce_min3A_40 [1] : vector<512x1024xf32> to vector<512xf32>
    %broadcast_in_dim3A_42 = vector.shape_cast %reduce_min3A_41 : vector<512xf32> to vector<512x1xf32>
    %eq3A_43 = vector.broadcast %broadcast_in_dim3A_42 : vector<512x1xf32> to vector<512x1024xf32>
    %eq3A_44 = arith.cmpf oeq, %add3A_39, %eq3A_43 : vector<512x1024xf32>
    %jit3A_45 = arith.constant 1.07374182E+9 : f32
    %broadcast_in_dim3A_46 = vector.shape_cast %convert_element_type3A : vector<1x1024xf32> to vector<1x1024xf32>
    %broadcast_in_dim3A_47 = vector.broadcast %broadcast_in_dim3A_46 : vector<1x1024xf32> to vector<512x1024xf32>
    %broadcast_in_dim3A_48 = vector.broadcast %jit3A_45 : f32 to vector<512x1024xf32>
    %select_n3A_49 = arith.select %eq3A_44, %broadcast_in_dim3A_47, %broadcast_in_dim3A_48 : vector<512x1024xi1>, vector<512x1024xf32>
    %reduce_min3A_50 = arith.constant dense<0x7F800000> : vector<512xf32>
    %reduce_min3A_51 = vector.multi_reduction <minimumf>, %select_n3A_49, %reduce_min3A_50 [1] : vector<512x1024xf32> to vector<512xf32>
    %broadcast_in_dim3A_52 = vector.shape_cast %reduce_min3A_51 : vector<512xf32> to vector<512x1xf32>
    %convert_element_type3A_53 = arith.fptosi %broadcast_in_dim3A_52 : vector<512x1xf32> to vector<512x1xi32>
    %add3A_54 = arith.constant 1024 : i32
    %add3A_55 = vector.broadcast %add3A_54 : i32 to vector<512x1xi32>
    %add3A_56 = arith.addi %convert_element_type3A_53, %add3A_55 : vector<512x1xi32>
    %lt3A = arith.cmpf olt, %broadcast_in_dim3A_42, %broadcast_in_dim3A : vector<512x1xf32>
    %select_n3A_57 = arith.select %lt3A, %broadcast_in_dim3A_42, %broadcast_in_dim3A : vector<512x1xi1>, vector<512x1xf32>
    %select_n3A_58 = arith.select %lt3A, %add3A_56, %add3A_27 : vector<512x1xi1>, vector<512x1xi32>
    %get3A_59 = arith.constant 2048 : index
    %get3A_60 = arith.constant 0 : index
    %get3A_61 = vector.load %arg2[%get3A_59, %get3A_60] : memref<8192x384xf32, #tpu.memory_space<vmem>>, vector<1024x384xf32>
    %dot_general3A_62 = arith.constant dense<0.000000e+00> : vector<512x1024xf32>
    %dot_general3A_63 = tpu.matmul %mul3A_3, %get3A_61, %dot_general3A_62 {dimension_numbers = #tpu.dot_dimension_numbers<[1], [1], [0], [0], [0, 0, 1, 0], [], []>, transpose_lhs_hint = false} : vector<512x384xf32>, vector<1024x384xf32>, vector<512x1024xf32> -> vector<512x1024xf32>
    %sub3A_64 = vector.broadcast %get3A_6 : vector<512x1xf32> to vector<512x1024xf32>
    %sub3A_65 = arith.subf %sub3A_64, %dot_general3A_63 : vector<512x1024xf32>
    %get3A_66 = arith.constant 0 : index
    %get3A_67 = arith.constant 2048 : index
    %get3A_68 = vector.load %arg4[%get3A_66, %get3A_67] : memref<1x8192xf32, #tpu.memory_space<vmem>>, vector<1x1024xf32>
    %add3A_69 = vector.broadcast %get3A_68 : vector<1x1024xf32> to vector<512x1024xf32>
    %add3A_70 = arith.addf %sub3A_65, %add3A_69 : vector<512x1024xf32>
    %reduce_min3A_71 = arith.constant dense<0x7F800000> : vector<512xf32>
    %reduce_min3A_72 = vector.multi_reduction <minimumf>, %add3A_70, %reduce_min3A_71 [1] : vector<512x1024xf32> to vector<512xf32>
    %broadcast_in_dim3A_73 = vector.shape_cast %reduce_min3A_72 : vector<512xf32> to vector<512x1xf32>
    %eq3A_74 = vector.broadcast %broadcast_in_dim3A_73 : vector<512x1xf32> to vector<512x1024xf32>
    %eq3A_75 = arith.cmpf oeq, %add3A_70, %eq3A_74 : vector<512x1024xf32>
    %jit3A_76 = arith.constant 1.07374182E+9 : f32
    %broadcast_in_dim3A_77 = vector.shape_cast %convert_element_type3A : vector<1x1024xf32> to vector<1x1024xf32>
    %broadcast_in_dim3A_78 = vector.broadcast %broadcast_in_dim3A_77 : vector<1x1024xf32> to vector<512x1024xf32>
    %broadcast_in_dim3A_79 = vector.broadcast %jit3A_76 : f32 to vector<512x1024xf32>
    %select_n3A_80 = arith.select %eq3A_75, %broadcast_in_dim3A_78, %broadcast_in_dim3A_79 : vector<512x1024xi1>, vector<512x1024xf32>
    %reduce_min3A_81 = arith.constant dense<0x7F800000> : vector<512xf32>
    %reduce_min3A_82 = vector.multi_reduction <minimumf>, %select_n3A_80, %reduce_min3A_81 [1] : vector<512x1024xf32> to vector<512xf32>
    %broadcast_in_dim3A_83 = vector.shape_cast %reduce_min3A_82 : vector<512xf32> to vector<512x1xf32>
    %convert_element_type3A_84 = arith.fptosi %broadcast_in_dim3A_83 : vector<512x1xf32> to vector<512x1xi32>
    %add3A_85 = arith.constant 2048 : i32
    %add3A_86 = vector.broadcast %add3A_85 : i32 to vector<512x1xi32>
    %add3A_87 = arith.addi %convert_element_type3A_84, %add3A_86 : vector<512x1xi32>
    %lt3A_88 = arith.cmpf olt, %broadcast_in_dim3A_73, %select_n3A_57 : vector<512x1xf32>
    %select_n3A_89 = arith.select %lt3A_88, %broadcast_in_dim3A_73, %select_n3A_57 : vector<512x1xi1>, vector<512x1xf32>
    %select_n3A_90 = arith.select %lt3A_88, %add3A_87, %select_n3A_58 : vector<512x1xi1>, vector<512x1xi32>
    %get3A_91 = arith.constant 3072 : index
    %get3A_92 = arith.constant 0 : index
    %get3A_93 = vector.load %arg2[%get3A_91, %get3A_92] : memref<8192x384xf32, #tpu.memory_space<vmem>>, vector<1024x384xf32>
    %dot_general3A_94 = arith.constant dense<0.000000e+00> : vector<512x1024xf32>
    %dot_general3A_95 = tpu.matmul %mul3A_3, %get3A_93, %dot_general3A_94 {dimension_numbers = #tpu.dot_dimension_numbers<[1], [1], [0], [0], [0, 0, 1, 0], [], []>, transpose_lhs_hint = false} : vector<512x384xf32>, vector<1024x384xf32>, vector<512x1024xf32> -> vector<512x1024xf32>
    %sub3A_96 = vector.broadcast %get3A_6 : vector<512x1xf32> to vector<512x1024xf32>
    %sub3A_97 = arith.subf %sub3A_96, %dot_general3A_95 : vector<512x1024xf32>
    %get3A_98 = arith.constant 0 : index
    %get3A_99 = arith.constant 3072 : index
    %get3A_100 = vector.load %arg4[%get3A_98, %get3A_99] : memref<1x8192xf32, #tpu.memory_space<vmem>>, vector<1x1024xf32>
    %add3A_101 = vector.broadcast %get3A_100 : vector<1x1024xf32> to vector<512x1024xf32>
    %add3A_102 = arith.addf %sub3A_97, %add3A_101 : vector<512x1024xf32>
    %reduce_min3A_103 = arith.constant dense<0x7F800000> : vector<512xf32>
    %reduce_min3A_104 = vector.multi_reduction <minimumf>, %add3A_102, %reduce_min3A_103 [1] : vector<512x1024xf32> to vector<512xf32>
    %broadcast_in_dim3A_105 = vector.shape_cast %reduce_min3A_104 : vector<512xf32> to vector<512x1xf32>
    %eq3A_106 = vector.broadcast %broadcast_in_dim3A_105 : vector<512x1xf32> to vector<512x1024xf32>
    %eq3A_107 = arith.cmpf oeq, %add3A_102, %eq3A_106 : vector<512x1024xf32>
    %jit3A_108 = arith.constant 1.07374182E+9 : f32
    %broadcast_in_dim3A_109 = vector.shape_cast %convert_element_type3A : vector<1x1024xf32> to vector<1x1024xf32>
    %broadcast_in_dim3A_110 = vector.broadcast %broadcast_in_dim3A_109 : vector<1x1024xf32> to vector<512x1024xf32>
    %broadcast_in_dim3A_111 = vector.broadcast %jit3A_108 : f32 to vector<512x1024xf32>
    %select_n3A_112 = arith.select %eq3A_107, %broadcast_in_dim3A_110, %broadcast_in_dim3A_111 : vector<512x1024xi1>, vector<512x1024xf32>
    %reduce_min3A_113 = arith.constant dense<0x7F800000> : vector<512xf32>
    %reduce_min3A_114 = vector.multi_reduction <minimumf>, %select_n3A_112, %reduce_min3A_113 [1] : vector<512x1024xf32> to vector<512xf32>
    %broadcast_in_dim3A_115 = vector.shape_cast %reduce_min3A_114 : vector<512xf32> to vector<512x1xf32>
    %convert_element_type3A_116 = arith.fptosi %broadcast_in_dim3A_115 : vector<512x1xf32> to vector<512x1xi32>
    %add3A_117 = arith.constant 3072 : i32
    %add3A_118 = vector.broadcast %add3A_117 : i32 to vector<512x1xi32>
    %add3A_119 = arith.addi %convert_element_type3A_116, %add3A_118 : vector<512x1xi32>
    %lt3A_120 = arith.cmpf olt, %broadcast_in_dim3A_105, %select_n3A_89 : vector<512x1xf32>
    %select_n3A_121 = arith.select %lt3A_120, %broadcast_in_dim3A_105, %select_n3A_89 : vector<512x1xi1>, vector<512x1xf32>
    %select_n3A_122 = arith.select %lt3A_120, %add3A_119, %select_n3A_90 : vector<512x1xi1>, vector<512x1xi32>
    %get3A_123 = arith.constant 4096 : index
    %get3A_124 = arith.constant 0 : index
    %get3A_125 = vector.load %arg2[%get3A_123, %get3A_124] : memref<8192x384xf32, #tpu.memory_space<vmem>>, vector<1024x384xf32>
    %dot_general3A_126 = arith.constant dense<0.000000e+00> : vector<512x1024xf32>
    %dot_general3A_127 = tpu.matmul %mul3A_3, %get3A_125, %dot_general3A_126 {dimension_numbers = #tpu.dot_dimension_numbers<[1], [1], [0], [0], [0, 0, 1, 0], [], []>, transpose_lhs_hint = false} : vector<512x384xf32>, vector<1024x384xf32>, vector<512x1024xf32> -> vector<512x1024xf32>
    %sub3A_128 = vector.broadcast %get3A_6 : vector<512x1xf32> to vector<512x1024xf32>
    %sub3A_129 = arith.subf %sub3A_128, %dot_general3A_127 : vector<512x1024xf32>
    %get3A_130 = arith.constant 0 : index
    %get3A_131 = arith.constant 4096 : index
    %get3A_132 = vector.load %arg4[%get3A_130, %get3A_131] : memref<1x8192xf32, #tpu.memory_space<vmem>>, vector<1x1024xf32>
    %add3A_133 = vector.broadcast %get3A_132 : vector<1x1024xf32> to vector<512x1024xf32>
    %add3A_134 = arith.addf %sub3A_129, %add3A_133 : vector<512x1024xf32>
    %reduce_min3A_135 = arith.constant dense<0x7F800000> : vector<512xf32>
    %reduce_min3A_136 = vector.multi_reduction <minimumf>, %add3A_134, %reduce_min3A_135 [1] : vector<512x1024xf32> to vector<512xf32>
    %broadcast_in_dim3A_137 = vector.shape_cast %reduce_min3A_136 : vector<512xf32> to vector<512x1xf32>
    %eq3A_138 = vector.broadcast %broadcast_in_dim3A_137 : vector<512x1xf32> to vector<512x1024xf32>
    %eq3A_139 = arith.cmpf oeq, %add3A_134, %eq3A_138 : vector<512x1024xf32>
    %jit3A_140 = arith.constant 1.07374182E+9 : f32
    %broadcast_in_dim3A_141 = vector.shape_cast %convert_element_type3A : vector<1x1024xf32> to vector<1x1024xf32>
    %broadcast_in_dim3A_142 = vector.broadcast %broadcast_in_dim3A_141 : vector<1x1024xf32> to vector<512x1024xf32>
    %broadcast_in_dim3A_143 = vector.broadcast %jit3A_140 : f32 to vector<512x1024xf32>
    %select_n3A_144 = arith.select %eq3A_139, %broadcast_in_dim3A_142, %broadcast_in_dim3A_143 : vector<512x1024xi1>, vector<512x1024xf32>
    %reduce_min3A_145 = arith.constant dense<0x7F800000> : vector<512xf32>
    %reduce_min3A_146 = vector.multi_reduction <minimumf>, %select_n3A_144, %reduce_min3A_145 [1] : vector<512x1024xf32> to vector<512xf32>
    %broadcast_in_dim3A_147 = vector.shape_cast %reduce_min3A_146 : vector<512xf32> to vector<512x1xf32>
    %convert_element_type3A_148 = arith.fptosi %broadcast_in_dim3A_147 : vector<512x1xf32> to vector<512x1xi32>
    %add3A_149 = arith.constant 4096 : i32
    %add3A_150 = vector.broadcast %add3A_149 : i32 to vector<512x1xi32>
    %add3A_151 = arith.addi %convert_element_type3A_148, %add3A_150 : vector<512x1xi32>
    %lt3A_152 = arith.cmpf olt, %broadcast_in_dim3A_137, %select_n3A_121 : vector<512x1xf32>
    %select_n3A_153 = arith.select %lt3A_152, %broadcast_in_dim3A_137, %select_n3A_121 : vector<512x1xi1>, vector<512x1xf32>
    %select_n3A_154 = arith.select %lt3A_152, %add3A_151, %select_n3A_122 : vector<512x1xi1>, vector<512x1xi32>
    %get3A_155 = arith.constant 5120 : index
    %get3A_156 = arith.constant 0 : index
    %get3A_157 = vector.load %arg2[%get3A_155, %get3A_156] : memref<8192x384xf32, #tpu.memory_space<vmem>>, vector<1024x384xf32>
    %dot_general3A_158 = arith.constant dense<0.000000e+00> : vector<512x1024xf32>
    %dot_general3A_159 = tpu.matmul %mul3A_3, %get3A_157, %dot_general3A_158 {dimension_numbers = #tpu.dot_dimension_numbers<[1], [1], [0], [0], [0, 0, 1, 0], [], []>, transpose_lhs_hint = false} : vector<512x384xf32>, vector<1024x384xf32>, vector<512x1024xf32> -> vector<512x1024xf32>
    %sub3A_160 = vector.broadcast %get3A_6 : vector<512x1xf32> to vector<512x1024xf32>
    %sub3A_161 = arith.subf %sub3A_160, %dot_general3A_159 : vector<512x1024xf32>
    %get3A_162 = arith.constant 0 : index
    %get3A_163 = arith.constant 5120 : index
    %get3A_164 = vector.load %arg4[%get3A_162, %get3A_163] : memref<1x8192xf32, #tpu.memory_space<vmem>>, vector<1x1024xf32>
    %add3A_165 = vector.broadcast %get3A_164 : vector<1x1024xf32> to vector<512x1024xf32>
    %add3A_166 = arith.addf %sub3A_161, %add3A_165 : vector<512x1024xf32>
    %reduce_min3A_167 = arith.constant dense<0x7F800000> : vector<512xf32>
    %reduce_min3A_168 = vector.multi_reduction <minimumf>, %add3A_166, %reduce_min3A_167 [1] : vector<512x1024xf32> to vector<512xf32>
    %broadcast_in_dim3A_169 = vector.shape_cast %reduce_min3A_168 : vector<512xf32> to vector<512x1xf32>
    %eq3A_170 = vector.broadcast %broadcast_in_dim3A_169 : vector<512x1xf32> to vector<512x1024xf32>
    %eq3A_171 = arith.cmpf oeq, %add3A_166, %eq3A_170 : vector<512x1024xf32>
    %jit3A_172 = arith.constant 1.07374182E+9 : f32
    %broadcast_in_dim3A_173 = vector.shape_cast %convert_element_type3A : vector<1x1024xf32> to vector<1x1024xf32>
    %broadcast_in_dim3A_174 = vector.broadcast %broadcast_in_dim3A_173 : vector<1x1024xf32> to vector<512x1024xf32>
    %broadcast_in_dim3A_175 = vector.broadcast %jit3A_172 : f32 to vector<512x1024xf32>
    %select_n3A_176 = arith.select %eq3A_171, %broadcast_in_dim3A_174, %broadcast_in_dim3A_175 : vector<512x1024xi1>, vector<512x1024xf32>
    %reduce_min3A_177 = arith.constant dense<0x7F800000> : vector<512xf32>
    %reduce_min3A_178 = vector.multi_reduction <minimumf>, %select_n3A_176, %reduce_min3A_177 [1] : vector<512x1024xf32> to vector<512xf32>
    %broadcast_in_dim3A_179 = vector.shape_cast %reduce_min3A_178 : vector<512xf32> to vector<512x1xf32>
    %convert_element_type3A_180 = arith.fptosi %broadcast_in_dim3A_179 : vector<512x1xf32> to vector<512x1xi32>
    %add3A_181 = arith.constant 5120 : i32
    %add3A_182 = vector.broadcast %add3A_181 : i32 to vector<512x1xi32>
    %add3A_183 = arith.addi %convert_element_type3A_180, %add3A_182 : vector<512x1xi32>
    %lt3A_184 = arith.cmpf olt, %broadcast_in_dim3A_169, %select_n3A_153 : vector<512x1xf32>
    %select_n3A_185 = arith.select %lt3A_184, %broadcast_in_dim3A_169, %select_n3A_153 : vector<512x1xi1>, vector<512x1xf32>
    %select_n3A_186 = arith.select %lt3A_184, %add3A_183, %select_n3A_154 : vector<512x1xi1>, vector<512x1xi32>
    %get3A_187 = arith.constant 6144 : index
    %get3A_188 = arith.constant 0 : index
    %get3A_189 = vector.load %arg2[%get3A_187, %get3A_188] : memref<8192x384xf32, #tpu.memory_space<vmem>>, vector<1024x384xf32>
    %dot_general3A_190 = arith.constant dense<0.000000e+00> : vector<512x1024xf32>
    %dot_general3A_191 = tpu.matmul %mul3A_3, %get3A_189, %dot_general3A_190 {dimension_numbers = #tpu.dot_dimension_numbers<[1], [1], [0], [0], [0, 0, 1, 0], [], []>, transpose_lhs_hint = false} : vector<512x384xf32>, vector<1024x384xf32>, vector<512x1024xf32> -> vector<512x1024xf32>
    %sub3A_192 = vector.broadcast %get3A_6 : vector<512x1xf32> to vector<512x1024xf32>
    %sub3A_193 = arith.subf %sub3A_192, %dot_general3A_191 : vector<512x1024xf32>
    %get3A_194 = arith.constant 0 : index
    %get3A_195 = arith.constant 6144 : index
    %get3A_196 = vector.load %arg4[%get3A_194, %get3A_195] : memref<1x8192xf32, #tpu.memory_space<vmem>>, vector<1x1024xf32>
    %add3A_197 = vector.broadcast %get3A_196 : vector<1x1024xf32> to vector<512x1024xf32>
    %add3A_198 = arith.addf %sub3A_193, %add3A_197 : vector<512x1024xf32>
    %reduce_min3A_199 = arith.constant dense<0x7F800000> : vector<512xf32>
    %reduce_min3A_200 = vector.multi_reduction <minimumf>, %add3A_198, %reduce_min3A_199 [1] : vector<512x1024xf32> to vector<512xf32>
    %broadcast_in_dim3A_201 = vector.shape_cast %reduce_min3A_200 : vector<512xf32> to vector<512x1xf32>
    %eq3A_202 = vector.broadcast %broadcast_in_dim3A_201 : vector<512x1xf32> to vector<512x1024xf32>
    %eq3A_203 = arith.cmpf oeq, %add3A_198, %eq3A_202 : vector<512x1024xf32>
    %jit3A_204 = arith.constant 1.07374182E+9 : f32
    %broadcast_in_dim3A_205 = vector.shape_cast %convert_element_type3A : vector<1x1024xf32> to vector<1x1024xf32>
    %broadcast_in_dim3A_206 = vector.broadcast %broadcast_in_dim3A_205 : vector<1x1024xf32> to vector<512x1024xf32>
    %broadcast_in_dim3A_207 = vector.broadcast %jit3A_204 : f32 to vector<512x1024xf32>
    %select_n3A_208 = arith.select %eq3A_203, %broadcast_in_dim3A_206, %broadcast_in_dim3A_207 : vector<512x1024xi1>, vector<512x1024xf32>
    %reduce_min3A_209 = arith.constant dense<0x7F800000> : vector<512xf32>
    %reduce_min3A_210 = vector.multi_reduction <minimumf>, %select_n3A_208, %reduce_min3A_209 [1] : vector<512x1024xf32> to vector<512xf32>
    %broadcast_in_dim3A_211 = vector.shape_cast %reduce_min3A_210 : vector<512xf32> to vector<512x1xf32>
    %convert_element_type3A_212 = arith.fptosi %broadcast_in_dim3A_211 : vector<512x1xf32> to vector<512x1xi32>
    %add3A_213 = arith.constant 6144 : i32
    %add3A_214 = vector.broadcast %add3A_213 : i32 to vector<512x1xi32>
    %add3A_215 = arith.addi %convert_element_type3A_212, %add3A_214 : vector<512x1xi32>
    %lt3A_216 = arith.cmpf olt, %broadcast_in_dim3A_201, %select_n3A_185 : vector<512x1xf32>
    %select_n3A_217 = arith.select %lt3A_216, %broadcast_in_dim3A_201, %select_n3A_185 : vector<512x1xi1>, vector<512x1xf32>
    %select_n3A_218 = arith.select %lt3A_216, %add3A_215, %select_n3A_186 : vector<512x1xi1>, vector<512x1xi32>
    %get3A_219 = arith.constant 7168 : index
    %get3A_220 = arith.constant 0 : index
    %get3A_221 = vector.load %arg2[%get3A_219, %get3A_220] : memref<8192x384xf32, #tpu.memory_space<vmem>>, vector<1024x384xf32>
    %dot_general3A_222 = arith.constant dense<0.000000e+00> : vector<512x1024xf32>
    %dot_general3A_223 = tpu.matmul %mul3A_3, %get3A_221, %dot_general3A_222 {dimension_numbers = #tpu.dot_dimension_numbers<[1], [1], [0], [0], [0, 0, 1, 0], [], []>, transpose_lhs_hint = false} : vector<512x384xf32>, vector<1024x384xf32>, vector<512x1024xf32> -> vector<512x1024xf32>
    %sub3A_224 = vector.broadcast %get3A_6 : vector<512x1xf32> to vector<512x1024xf32>
    %sub3A_225 = arith.subf %sub3A_224, %dot_general3A_223 : vector<512x1024xf32>
    %get3A_226 = arith.constant 0 : index
    %get3A_227 = arith.constant 7168 : index
    %get3A_228 = vector.load %arg4[%get3A_226, %get3A_227] : memref<1x8192xf32, #tpu.memory_space<vmem>>, vector<1x1024xf32>
    %add3A_229 = vector.broadcast %get3A_228 : vector<1x1024xf32> to vector<512x1024xf32>
    %add3A_230 = arith.addf %sub3A_225, %add3A_229 : vector<512x1024xf32>
    %reduce_min3A_231 = arith.constant dense<0x7F800000> : vector<512xf32>
    %reduce_min3A_232 = vector.multi_reduction <minimumf>, %add3A_230, %reduce_min3A_231 [1] : vector<512x1024xf32> to vector<512xf32>
    %broadcast_in_dim3A_233 = vector.shape_cast %reduce_min3A_232 : vector<512xf32> to vector<512x1xf32>
    %eq3A_234 = vector.broadcast %broadcast_in_dim3A_233 : vector<512x1xf32> to vector<512x1024xf32>
    %eq3A_235 = arith.cmpf oeq, %add3A_230, %eq3A_234 : vector<512x1024xf32>
    %jit3A_236 = arith.constant 1.07374182E+9 : f32
    %broadcast_in_dim3A_237 = vector.shape_cast %convert_element_type3A : vector<1x1024xf32> to vector<1x1024xf32>
    %broadcast_in_dim3A_238 = vector.broadcast %broadcast_in_dim3A_237 : vector<1x1024xf32> to vector<512x1024xf32>
    %broadcast_in_dim3A_239 = vector.broadcast %jit3A_236 : f32 to vector<512x1024xf32>
    %select_n3A_240 = arith.select %eq3A_235, %broadcast_in_dim3A_238, %broadcast_in_dim3A_239 : vector<512x1024xi1>, vector<512x1024xf32>
    %reduce_min3A_241 = arith.constant dense<0x7F800000> : vector<512xf32>
    %reduce_min3A_242 = vector.multi_reduction <minimumf>, %select_n3A_240, %reduce_min3A_241 [1] : vector<512x1024xf32> to vector<512xf32>
    %broadcast_in_dim3A_243 = vector.shape_cast %reduce_min3A_242 : vector<512xf32> to vector<512x1xf32>
    %convert_element_type3A_244 = arith.fptosi %broadcast_in_dim3A_243 : vector<512x1xf32> to vector<512x1xi32>
    %add3A_245 = arith.constant 7168 : i32
    %add3A_246 = vector.broadcast %add3A_245 : i32 to vector<512x1xi32>
    %add3A_247 = arith.addi %convert_element_type3A_244, %add3A_246 : vector<512x1xi32>
    %lt3A_248 = arith.cmpf olt, %broadcast_in_dim3A_233, %select_n3A_217 : vector<512x1xf32>
    %select_n3A_249 = arith.select %lt3A_248, %add3A_247, %select_n3A_218 : vector<512x1xi1>, vector<512x1xi32>
    %broadcast_in_dim3A_250 = vector.shape_cast %select_n3A_249 : vector<512x1xi32> to vector<1x512x1xi32>
    %swap3A = arith.constant 0 : index
    %swap3A_251 = arith.constant 0 : index
    %swap3A_252 = arith.constant 0 : index
    %swap3A_253 = vector.load %arg5[%swap3A, %swap3A_251, %swap3A_252] : memref<1x512x1xi32, #tpu.memory_space<vmem>>, vector<1x512x1xi32>
    tpu.vector_store %arg5[%swap3A, %swap3A_251, %swap3A_252], %broadcast_in_dim3A_250 {strides = array<i32>} : memref<1x512x1xi32, #tpu.memory_space<vmem>>, vector<1x512x1xi32>,
    return
  }
  func.func @transform_0(%arg0: i32) -> (i32, i32) {
    %c0_i32 = arith.constant 0 : i32
    %c0_i32_0 = arith.constant 0 : i32
    return %arg0, %c0_i32 : i32, i32
  }
  func.func @transform_1(%arg0: i32) -> (i32, i32) {
    %c0_i32 = arith.constant 0 : i32
    %c0_i32_0 = arith.constant 0 : i32
    %c0_i32_1 = arith.constant 0 : i32
    return %c0_i32, %c0_i32_0 : i32, i32
  }
  func.func @transform_2(%arg0: i32) -> (i32, i32) {
    %c0_i32 = arith.constant 0 : i32
    %c0_i32_0 = arith.constant 0 : i32
    return %arg0, %c0_i32 : i32, i32
  }
  func.func @transform_3(%arg0: i32) -> (i32, i32) {
    %c0_i32 = arith.constant 0 : i32
    %c0_i32_0 = arith.constant 0 : i32
    %c0_i32_1 = arith.constant 0 : i32
    return %c0_i32, %c0_i32_0 : i32, i32
  }
  func.func @transform_4(%arg0: i32) -> (i32, i32, i32) {
    %c0_i32 = arith.constant 0 : i32
    %c0_i32_0 = arith.constant 0 : i32
    %c0_i32_1 = arith.constant 0 : i32
    return %arg0, %c0_i32, %c0_i32_0 : i32, i32, i32
  }
}

</mosaic_0001>

<sc_bundles>
// kernel: kernel.4.cloned.1.call-start
scs
__scs_entry_jumppad:
0x0: {  	(pc) =	sbr.rel $0x88, $3  }
0x1: {  	(tag) =	ssettag $0x0;
	lr =	simm.s32 $0x1  }
0x2: {  	[smem:$0x3F9E] =	sst lr;
	_ =	strace $0xD0000000  }
0x3: {  	_ = 	snop  }
0x4: {  	_ = 	snop  }
0x5: {  	_ = 	snop  }
0x6: {  	_ = 	snop  }
0x7: {  	_ = 	snop  }
__scs_overlays_trampoline_lowered:
0x8: {  	[smem:$0x3FAD] =	sst s0  }
0x9: {  	[smem:$0x3FAE] =	sst s1  }
0xa: {  	[smem:$0x3FAF] =	sst s2  }
0xb: {  	[smem:$0x3FB0] =	sst s3  }
0xc: {  	[smem:$0x3FB1] =	sst s4  }
0xd: {  	[smem:$0x3FB2] =	sst s5  }
0xe: {  	[smem:$0x3FB3] =	sst s6  }
0xf: {  	[smem:$0x3FB4] =	sst s7  }
0x10: {  	[smem:$0x3FB5] =	sst s8  }
0x11: {  	[smem:$0x3FB6] =	sst s9;
	s0 =	simm.s32 @!p0 $0x0  }
0x12: {  	s1 =	sld [smem:$0x3F9C];
	s0 =	simm.s32 @p0 $0x1  }
0x13: {  	[smem:$0x3FB7] =	sst s0;
	s0 =	simm.s32 @!p1 $0x0  }
0x14: {  	s2 =	sld [smem:$0x3F9B];
	s0 =	simm.s32 @p1 $0x1  }
0x15: {  	[smem:$0x3FB8] =	sst s0;
	s0 =	simm.s32 @!p2 $0x0  }
0x16: {  	s3 =	sld [smem:$0x3FDB];
	s0 =	simm.s32 @p2 $0x1  }
0x17: {  	s4 =	simm.s32 $0x1BF5;
	[smem:$0x3FBA] =	sst s0  }
0x18: {  	s0 =	sld [smem:$0x3F9D];
	_ =	swait.ge [sflag:s4], $0x0  }
0x19: {  	s7 =	sld [smem:$0x3F9E]  }
0x1a: {  	s8 =	sadd.s32 $0xFFFFE003, lr  }
0x1b: {  	s9 =	sadd.s32 $0xFFFFFEF7, lr;
	s5 =	simm.s32 $0xFFFFFFFF;
	p2 =	slt.u32 s8, $0xFFFFF086  }
0x1c: {  	p1 =	slt.u32 s9, $0xF7A;
	s5 =	simm.s32 @!p2 $0x0  }
0x1d: {  	s5 =	simm.s32 @p1 $0x1;
	p0 =	seq.s32 s7, s2  }
0x1e: {  	s7 =	smul.u32 @!p0 $0xF7A, s2;
	p2 =	seq.s32 @!p0 s5, $0x0  }
0x1f: {  	s9 =	smul.u32 $0xF7A, s1;
	s8 =	simm.s32 @!p0 $0x1BF5;
	p2 =	por !p2, p0  }
0x20: {  	[sflag:s8] =	ssyncset.s32 @!p0 $0xFFFFF086;
	s6 =	sadd.s32 @!p0 s3, s7;
	s7 =	simm.s32 @!p0 $0x108  }
0x21: {  	s3 =	sadd.s32 s3, s9;
	s6 =	sadd.s32 @!p0 $0x88, s6;
	s7 =	simm.s32 @p2 $0x1082  }
0x22: {  	[simem:s7], [sflag:s8] =	dma.local @!p0 [hbm:s6], $0xF7A  }
0x23: {  	s9 =	sor.u32 $0xD0000000, s2;
	s6 =	simm.s32 $0x108;
	_ =	swait.ge @!p0 [sflag:s8], $0x0  }
0x24: {  	s3 =	sadd.s32 $0x88, s3;
	s6 =	simm.s32 @!p1 $0x1082;
	[sflag:s4] =	ssyncset.s32 $0xFFFFF086  }
0x25: {  	[simem:s6], [sflag:s4] =	dma.local [hbm:s3], $0xF7A  }
0x26: {  	[smem:$0x3F9E] =	sst s1;
	(tag) =	ssettag s2;
	_ =	strace s9  }
0x27: {  	s1 =	sld [smem:$0x3FAE]  }
0x28: {  	s2 =	sld [smem:$0x3FAF]  }
0x29: {  	s4 =	sld [smem:$0x3FB1]  }
0x2a: {  	p0 =	seq.s32 s5, $0x0;
	s5 =	sld [smem:$0x3FB2]  }
0x2b: {  	s6 =	sld [smem:$0x3FB3]  }
0x2c: {  	s7 =	sld [smem:$0x3FB4]  }
0x2d: {  	s3 =	simm.s32 $0x108;
	s8 =	sld [smem:$0x3FB5]  }
0x2e: {  	s3 =	simm.s32 @!p0 $0x1082;
	s9 =	sld [smem:$0x3FB6]  }
0x2f: {  	lr =	sadd.s32 s0, s3;
	s0 =	sld [smem:$0x3FAD]  }
0x30: {  	s3 =	sld [smem:$0x3FB0]  }
0x31: {  	[smem:$0x3FB9] =	sst s10  }
0x32: {  	s10 =	sld [smem:$0x3FB7];
	_ =	sdelay $0x3  }
0x33: {  	p0 =	seq.s32 s10, $0x1;
	s10 =	sld [smem:$0x3FB9];
	_ =	sdelay $0x3  }
0x34: {  	[smem:$0x3FB9] =	sst s10  }
0x35: {  	s10 =	sld [smem:$0x3FB8];
	_ =	sdelay $0x3  }
0x36: {  	p1 =	seq.s32 s10, $0x1;
	s10 =	sld [smem:$0x3FB9];
	_ =	sdelay $0x3  }
0x37: {  	[smem:$0x3FB9] =	sst s10  }
0x38: {  	s10 =	sld [smem:$0x3FBA]  }
0x39: {  	_ = 	snop;
	(pc) =	sbr.ind lr, $3  }
0x3a: {  	_ = 	snop  }
0x3b: {  	_ = 	snop  }
0x3c: {  	p2 =	seq.s32 s10, $0x1;
	s10 =	sld [smem:$0x3FB9]  }
0x3d: {  	_ =	shalt  }
0x3e: {  	_ =	shalt  }
0x3f: {  	_ =	shalt  }
0x40: {  	_ =	shalt  }
0x41: {  	_ =	shalt  }
0x42: {  	_ =	shalt  }
0x43: {  	_ =	shalt  }
0x44: {  	_ =	shalt  }
0x45: {  	_ =	shalt  }
0x46: {  	_ =	shalt  }
0x47: {  	_ =	shalt  }
0x48: {  	_ =	shalt  }
0x49: {  	_ =	shalt  }
0x4a: {  	_ =	shalt  }
0x4b: {  	_ =	shalt  }
0x4c: {  	_ =	shalt  }
0x4d: {  	_ =	shalt  }
0x4e: {  	_ =	shalt  }
0x4f: {  	_ =	shalt  }
0x50: {  	_ =	shalt  }
0x51: {  	_ =	shalt  }
0x52: {  	_ =	shalt  }
0x53: {  	_ =	shalt  }
0x54: {  	_ =	shalt  }
0x55: {  	_ =	shalt  }
0x56: {  	_ =	shalt  }
0x57: {  	_ =	shalt  }
0x58: {  	_ =	shalt  }
0x59: {  	_ =	shalt  }
0x5a: {  	_ =	shalt  }
0x5b: {  	_ =	shalt  }
0x5c: {  	_ =	shalt  }
0x5d: {  	_ =	shalt  }
0x5e: {  	_ =	shalt  }
0x5f: {  	_ =	shalt  }
0x60: {  	_ =	shalt  }
0x61: {  	_ =	shalt  }
0x62: {  	_ =	shalt  }
0x63: {  	_ =	shalt  }
0x64: {  	_ =	shalt  }
0x65: {  	_ =	shalt  }
0x66: {  	_ =	shalt  }
0x67: {  	_ =	shalt  }
0x68: {  	_ =	shalt  }
0x69: {  	_ =	shalt  }
0x6a: {  	_ =	shalt  }
0x6b: {  	_ =	shalt  }
0x6c: {  	_ =	shalt  }
0x6d: {  	_ =	shalt  }
0x6e: {  	_ =	shalt  }
0x6f: {  	_ =	shalt  }
0x70: {  	_ =	shalt  }
0x71: {  	_ =	shalt  }
0x72: {  	_ =	shalt  }
0x73: {  	_ =	shalt  }
0x74: {  	_ =	shalt  }
0x75: {  	_ =	shalt  }
0x76: {  	_ =	shalt  }
0x77: {  	_ =	shalt  }
0x78: {  	_ =	shalt  }
0x79: {  	_ =	shalt  }
0x7a: {  	_ =	shalt  }
0x7b: {  	_ =	shalt  }
0x7c: {  	_ =	shalt  }
0x7d: {  	_ =	shalt  }
0x7e: {  	_ =	shalt  }
0x7f: {  	_ =	shalt  }
0x80: {  	_ =	shalt  }
0x81: {  	_ =	shalt  }
0x82: {  	_ =	shalt  }
0x83: {  	_ =	shalt  }
0x84: {  	_ =	shalt  }
0x85: {  	_ =	shalt  }
0x86: {  	_ =	shalt  }
0x87: {  	_ =	shalt  }
.Lfunc_end0:
.L_simem_size_0:
called_computation_lowered:
.L_overlay_start_0:
0x88: {  	s2 =	sld [smem:$0x3FD9]  }
0x89: {  	s3 =	sld [smem:$0x3FFE];
	_ =	sdelay $0x1  }
0x8a: {  	s1 =	srdreg.scid  }
0x8b: {  	s0 =	sand.u32 $0x1, s1  }
0x8c: {  	s17 =	sshll.u32 s0, $0xA;
	s2 =	sadd.s32 s3, s2  }
0x8d: {  	s2 =	sadd.s32 s2, s17  }
0x8e: {  	[smem:$0x3FC5] =	sst s2  }
0x8f: {  	_ = 	snop  }
0x90: {  	s2 =	sld [smem:$0x3FC7]  }
0x91: {  	s18 =	sld [smem:$0x3FD0];
	(tm) =	ssettm $0x1  }
0x92: {  	s4 =	sld [smem:$0x3FFB];
	_ =	sdelay $0x3  }
0x93: {  	_ =	strace s4  }
0x94: {  	s4 =	sld [smem:$0x3FFC];
	_ =	sdelay $0x3  }
0x95: {  	_ =	strace s4  }
0x96: {  	s4 =	sld [smem:$0x3FFD];
	_ =	sdelay $0x3  }
0x97: {  	_ =	strace s4  }
0x98: {  	_ =	strace $0x8FFFFFFF  }
0x99: {  	s19 =	sld [smem:$0x3FDB];
	_ =	sdelay $0x1  }
0x9a: {  	s5 =	simm.s32 $_scs_section_size  }
0x9b: {  	s6 =	simm.s32 $_size__tile_overlayer_lowered;
	s7 =	simm.s32 $_tile_overlayer_lowered  }
0x9c: {  	s22 =	simm.s32 $0x1BFF;
	s21 =	sshll.u32 s7, $0x1;
	s4 =	sadd.s32 s5, s19  }
0x9d: {  	s8 =	simm.s32 $0x0;
	s20 =	sshll.u32 s6, $0x1;
	s6 =	sadd.s32 s21, s4  }
0x9e: {  	[timem:s8], [sflag:s22] =	dma.local [hbm:s6], s20  }
0x9f: {  	_ =	swait.ge [sflag:s22], s20  }
0xa0: {  	s5 =	ssub.s32 $0x0, s20;
	[sflag:s22] =	ssyncset.done $0x0  }
0xa1: {  	[sflag:s22] =	ssyncadd.s32 s5;
	_ =	sdelay $0x1  }
0xa2: {  	s23 =	simm.s32 $0x1B8B  }
0xa3: {  	_ =	swait.ge [sflag:s23], $0x1  }
0xa4: {  	[sflag:s23] =	ssyncset.done $0x0  }
0xa5: {  	s25 =	simm.s32 $0x1B8E;
	s24 =	sld [smem:$0x3FFE];
	[sflag:s23] =	ssyncadd.s32 $0xFFFFFFFF  }
0xa6: {  	s26 =	simm.s32 $execute0_lowered;
	[smem:$0x3FD2] =	sst s25  }
0xa7: {  	s6 =	sshll.u32 s26, $0x1;
	_ =	strace $0x80000046;
	[dreg:$0x1] =	wrdreg $0xFFFFFFFF  }
0xa8: {  	s28 =	simm.s32 $_size_execute0_lowered;
	s4 =	sadd.s32 s4, s6;
	[dreg:$0x0] =	wrdreg $0x0  }
0xa9: {  	s6 =	sshll.u32 s28, $0x1;
	[dreg:$0x2] =	wrdreg s4  }
0xaa: {  	[dreg:$0x3] =	wrdreg s6  }
0xab: {  	[dreg:$0x4] =	wrdreg $0xC0  }
0xac: {  	_ =	task [dreg:s8], $0x5FFFF  }
0xad: {  	[dreg:$0x1] =	wrdreg $0xFFFFFFFF  }
0xae: {  	[dreg:$0x0] =	wrdreg $0x60  }
0xaf: {  	[dreg:$0x2] =	wrdreg s24  }
0xb0: {  	[dreg:$0x3] =	wrdreg s2  }
0xb1: {  	[dreg:$0x4] =	wrdreg s18  }
0xb2: {  	[dreg:$0x5] =	wrdreg $0x9  }
0xb3: {  	_ =	task.clear_ibuf [dreg:s8], $0x6FFFF;
	_ =	strace $0x90000046  }
0xb4: {  	s29 =	simm.s32 $0x9;
	_ =	strace $0x80000048  }
0xb5: {  	_ =	swait.ge [sflag:s29], $0x1  }
0xb6: {  	[sflag:s29] =	ssyncadd.s32 $0xFFFFFFFF  }
0xb7: {  	_ =	strace $0x90000048  }
0xb8: {  	_ =	sfence  }
0xb9: {  	s30 =	sld [smem:$0x0];
	_ =	sdelay $0x2  }
0xba: {  	s31 =	sshll.u32 s1, $0xD;
	s1 =	sshrl.u32 s1, $0x2  }
0xbb: {  	s3 =	sand.u32 $0x4000, s31;
	s1 =	sadd.s32 s1, s30  }
0xbc: {  	s0 =	sor.u32 s3, s0;
	s1 =	sshll.u32 s1, $0x11  }
0xbd: {  	s0 =	sor.u32 s1, s0  }
0xbe: {  	s0 =	sadd.s32 $0x8F2B, s0  }
0xbf: {  	[sflag:s0] =	ssyncadd.remote.s32 $0x1  }
0xc0: {  	_ =	sfence.sel $0xFFFF  }
0xc1: {  	[dreg:$0x0] =	wrdreg $0xFFFFFFFF;
	(pc) =	sbr.abs _section_cstart, $3  }
0xc2: {  	[dreg:$0x1] =	wrdreg $0xFFFFFFFF  }
0xc3: {  	_ =	task.clear_ibuf [dreg:s8], $0x2FFFF;
	_ =	strace $0x9FFFFFFF  }
0xc4: {  	(tm) =	ssettm $0x7FFFFFFF  }
0xc5: {  	_ =	shalt  }
tec
execute0_lowered:
.L_overlay_start_1:
0x0: {  	(tag) =	ssettag $0x1  }
0x1: {  	s4 =	rddreg [dreg:$0x0]  }
0x2: {  	s1 =	rddreg [dreg:$0x1]  }
0x3: {  	s5 =	rddreg [dreg:$0x2]  }
0x4: {  	s3 =	simm.s32 $0x0;
	s6 =	srdreg.scid;
	s2 =	stileid.u32  }
0x5: {  	s10 =	simm.s32 $0x200;
	s11 =	simm.s32 $0xA00;
	s12 =	simm.s32 $0x1200  }
0x6: {  	s13 =	simm.s32 $0x1A00;
	s14 =	simm.s32 $0x2200;
	s15 =	simm.s32 $0x2A00  }
0x7: {  	s16 =	simm.s32 $0x3200;
	s17 =	simm.s32 $0x3A00;
	s18 =	simm.s32 $0x4200  }
0x8: {  	s19 =	simm.s32 $0x4A00;
	s20 =	simm.s32 $0x5200;
	s21 =	simm.s32 $0x5A00  }
0x9: {  	s22 =	simm.s32 $0x6200;
	s23 =	simm.s32 $0x6A00;
	s24 =	simm.s32 $0x7200  }
0xa: {  	s28 =	simm.s32 $0x2;
	s29 =	simm.s32 $0x3;
	s30 =	simm.s32 $0x4  }
0xb: {  	s31 =	simm.s32 $0x5;
	s6 =	sand.u32 $0x1, s6;
	s7 =	sshll.u32 s2, $0x1  }
0xc: {  	[smem:$0x7FF] =	sst s3;
	s8 =	ssub.s32 $0x2, s6;
	s6 =	sor.u32 s6, s7  }
0xd: {  	_ =	strace $0x80000047;
	s25 =	sshrl.u32 s8, $0x1;
	s9 =	sshll.u32 s6, $0x6  }
0xe: {  	s6 =	sshll.u32 s6, $0xC;
	s8 =	ssub.s32 s8, s25;
	s26 =	sadd.s32 s4, s9  }
0xf: {  	v2 =	vlaneseq.u32;
	s4 =	sadd.s32 s5, s6;
	s9 =	simm.s32 $0x6;
	s25 =	simm.s32 $0x7A00  }
0x10: {  	vm0 =	vmmov $0xffff;
	v1 =	vshrl.u32 v2, $0x3;
	[dreg:$0x4] =	wrdreg s26;
	s5 =	sadd.s32 $0x400, s4;
	s6 =	sadd.s32 $0x800, s4  }
0x11: {  	v0 =	vand.u32 $0x7, v2;
	v2 =	vor.u32 $0x8, v2;
	v1 =	vmul.u32 $0x8, v1;
	s7 =	sadd.s32 $0xC00, s4;
	s8 =	smax.u32 s8, $0x1;
	s26 =	simm.s32 $0x1  }
.LBB2_1:
0x12: {  	s0 =	rddreg [dreg:$0x4]  }
0x13: {  	[tilespmem:s3], [sflag:$0x6] =	stream.linear.gather [hbm4b:s0+s3], $0x200, $0x38;
	[tilespmem:$0x8200] =	vst v63  }
0x14: {  	_ =	swait.ge [sflag:s9], $0x200  }
0x15: {  	[sflag:s9] =	ssyncset.done $0x0  }
0x16: {  	[sflag:s9] =	ssyncadd.s32 $0xFFFFFE00  }
0x17: {  	v3 =	vld [tilespmem:$0x0];
	_ =	sdelay $0x4  }
0x18: {  	v4 =	vshll.u32 v3, $0x1  }
0x19: {  	v3 =	vand.u32 $0x7, v3;
	v4 =	vand.u32 $0xFFFFFFF0, v4  }
0x1a: {  	v3 =	vor.u32 v3, v4  }
0x1b: {  	v4 =	vperm.xlane v3, v0;
	_ =	sdelay $0x1  }
0x1c: {  	v3 =	vperm.xlane v3, v2;
	v4 =	vadd.s32 v1, v4;
	_ =	sdelay $0x1  }
0x1d: {  	v3 =	vadd.s32 v1, v3;
	_ =	sdelay $0x2  }
0x1e: {  	[tilespmem:s10], [sflag:$0x1] =	stream.indirect_vreg.gather [hbm4b:s1+s3], $0x80, v4, vm0, $0xb8;
	[tilespmem:$0x8200] =	vst v63  }
0x1f: {  	_ = 	snop  }
0x20: {  	[tilespmem:s11], [sflag:$0x1] =	stream.indirect_vreg.gather [hbm4b:s1+s3], $0x80, v3, vm0, $0xb8;
	[tilespmem:$0x8200] =	vst v63  }
0x21: {  	v3 =	vld [tilespmem:$0x10];
	_ =	sdelay $0x4  }
0x22: {  	v57 =	vshll.u32 v3, $0x1  }
0x23: {  	v3 =	vand.u32 $0x7, v3;
	v4 =	vand.u32 $0xFFFFFFF0, v57  }
0x24: {  	v3 =	vor.u32 v3, v4  }
0x25: {  	v4 =	vperm.xlane v3, v0;
	_ =	sdelay $0x1  }
0x26: {  	v3 =	vperm.xlane v3, v2;
	v4 =	vadd.s32 v1, v4;
	_ =	sdelay $0x1  }
0x27: {  	v3 =	vadd.s32 v1, v3;
	_ =	sdelay $0x2  }
0x28: {  	[tilespmem:s12], [sflag:$0x1] =	stream.indirect_vreg.gather [hbm4b:s1+s3], $0x80, v4, vm0, $0xb8;
	[tilespmem:$0x8200] =	vst v63  }
0x29: {  	_ = 	snop  }
0x2a: {  	[tilespmem:s13], [sflag:$0x1] =	stream.indirect_vreg.gather [hbm4b:s1+s3], $0x80, v3, vm0, $0xb8;
	[tilespmem:$0x8200] =	vst v63  }
0x2b: {  	v3 =	vld [tilespmem:$0x80];
	_ =	sdelay $0x4  }
0x2c: {  	v58 =	vshll.u32 v3, $0x1  }
0x2d: {  	v3 =	vand.u32 $0x7, v3;
	v4 =	vand.u32 $0xFFFFFFF0, v58  }
0x2e: {  	v3 =	vor.u32 v3, v4  }
0x2f: {  	v4 =	vperm.xlane v3, v0;
	_ =	sdelay $0x1  }
0x30: {  	v3 =	vperm.xlane v3, v2;
	v4 =	vadd.s32 v1, v4;
	_ =	sdelay $0x1  }
0x31: {  	v3 =	vadd.s32 v1, v3;
	_ =	sdelay $0x2  }
0x32: {  	[tilespmem:s14], [sflag:$0x2] =	stream.indirect_vreg.gather [hbm4b:s1+s3], $0x80, v4, vm0, $0xb8;
	[tilespmem:$0x8200] =	vst v63  }
0x33: {  	_ = 	snop  }
0x34: {  	[tilespmem:s15], [sflag:$0x2] =	stream.indirect_vreg.gather [hbm4b:s1+s3], $0x80, v3, vm0, $0xb8;
	[tilespmem:$0x8200] =	vst v63  }
0x35: {  	v3 =	vld [tilespmem:$0x90];
	_ =	sdelay $0x4  }
0x36: {  	v59 =	vshll.u32 v3, $0x1  }
0x37: {  	v3 =	vand.u32 $0x7, v3;
	v4 =	vand.u32 $0xFFFFFFF0, v59  }
0x38: {  	v3 =	vor.u32 v3, v4  }
0x39: {  	v4 =	vperm.xlane v3, v0;
	_ =	sdelay $0x1  }
0x3a: {  	v3 =	vperm.xlane v3, v2;
	v4 =	vadd.s32 v1, v4;
	_ =	sdelay $0x1  }
0x3b: {  	v3 =	vadd.s32 v1, v3;
	_ =	sdelay $0x2  }
0x3c: {  	[tilespmem:s16], [sflag:$0x2] =	stream.indirect_vreg.gather [hbm4b:s1+s3], $0x80, v4, vm0, $0xb8;
	[tilespmem:$0x8200] =	vst v63  }
0x3d: {  	_ = 	snop  }
0x3e: {  	[tilespmem:s17], [sflag:$0x2] =	stream.indirect_vreg.gather [hbm4b:s1+s3], $0x80, v3, vm0, $0xb8;
	[tilespmem:$0x8200] =	vst v63  }
0x3f: {  	v3 =	vld [tilespmem:$0x100];
	_ =	sdelay $0x4  }
0x40: {  	v60 =	vshll.u32 v3, $0x1  }
0x41: {  	v3 =	vand.u32 $0x7, v3;
	v4 =	vand.u32 $0xFFFFFFF0, v60  }
0x42: {  	v3 =	vor.u32 v3, v4  }
0x43: {  	v4 =	vperm.xlane v3, v0;
	_ =	sdelay $0x1  }
0x44: {  	v3 =	vperm.xlane v3, v2;
	v4 =	vadd.s32 v1, v4;
	_ =	sdelay $0x1  }
0x45: {  	v3 =	vadd.s32 v1, v3;
	_ =	sdelay $0x2  }
0x46: {  	[tilespmem:s18], [sflag:$0x3] =	stream.indirect_vreg.gather [hbm4b:s1+s3], $0x80, v4, vm0, $0xb8;
	[tilespmem:$0x8200] =	vst v63  }
0x47: {  	_ = 	snop  }
0x48: {  	[tilespmem:s19], [sflag:$0x3] =	stream.indirect_vreg.gather [hbm4b:s1+s3], $0x80, v3, vm0, $0xb8;
	[tilespmem:$0x8200] =	vst v63  }
0x49: {  	v3 =	vld [tilespmem:$0x110];
	_ =	sdelay $0x4  }
0x4a: {  	v61 =	vshll.u32 v3, $0x1  }
0x4b: {  	v3 =	vand.u32 $0x7, v3;
	v4 =	vand.u32 $0xFFFFFFF0, v61  }
0x4c: {  	v3 =	vor.u32 v3, v4  }
0x4d: {  	v4 =	vperm.xlane v3, v0;
	_ =	sdelay $0x1  }
0x4e: {  	v3 =	vperm.xlane v3, v2;
	v4 =	vadd.s32 v1, v4;
	_ =	sdelay $0x1  }
0x4f: {  	v3 =	vadd.s32 v1, v3;
	_ =	sdelay $0x2  }
0x50: {  	[tilespmem:s20], [sflag:$0x3] =	stream.indirect_vreg.gather [hbm4b:s1+s3], $0x80, v4, vm0, $0xb8;
	[tilespmem:$0x8200] =	vst v63  }
0x51: {  	_ = 	snop  }
0x52: {  	[tilespmem:s21], [sflag:$0x3] =	stream.indirect_vreg.gather [hbm4b:s1+s3], $0x80, v3, vm0, $0xb8;
	[tilespmem:$0x8200] =	vst v63  }
0x53: {  	v3 =	vld [tilespmem:$0x180];
	_ =	sdelay $0x4  }
0x54: {  	v62 =	vshll.u32 v3, $0x1  }
0x55: {  	v3 =	vand.u32 $0x7, v3;
	v4 =	vand.u32 $0xFFFFFFF0, v62  }
0x56: {  	v3 =	vor.u32 v3, v4  }
0x57: {  	v4 =	vperm.xlane v3, v0;
	_ =	sdelay $0x1  }
0x58: {  	v3 =	vperm.xlane v3, v2;
	v4 =	vadd.s32 v1, v4;
	_ =	sdelay $0x1  }
0x59: {  	v3 =	vadd.s32 v1, v3;
	_ =	sdelay $0x2  }
0x5a: {  	[tilespmem:s22], [sflag:$0x4] =	stream.indirect_vreg.gather [hbm4b:s1+s3], $0x80, v4, vm0, $0xb8;
	[tilespmem:$0x8200] =	vst v63  }
0x5b: {  	_ = 	snop  }
0x5c: {  	[tilespmem:s23], [sflag:$0x4] =	stream.indirect_vreg.gather [hbm4b:s1+s3], $0x80, v3, vm0, $0xb8;
	[tilespmem:$0x8200] =	vst v63  }
0x5d: {  	v3 =	vld [tilespmem:$0x190];
	_ =	sdelay $0x4  }
0x5e: {  	v63 =	vshll.u32 v3, $0x1  }
0x5f: {  	v3 =	vand.u32 $0x7, v3;
	v4 =	vand.u32 $0xFFFFFFF0, v63  }
0x60: {  	v3 =	vor.u32 v3, v4  }
0x61: {  	v4 =	vperm.xlane v3, v0;
	_ =	sdelay $0x1  }
0x62: {  	v3 =	vperm.xlane v3, v2;
	v4 =	vadd.s32 v1, v4;
	_ =	sdelay $0x1  }
0x63: {  	v3 =	vadd.s32 v1, v3;
	_ =	sdelay $0x2  }
0x64: {  	[tilespmem:s24], [sflag:$0x4] =	stream.indirect_vreg.gather [hbm4b:s1+s3], $0x80, v4, vm0, $0xb8;
	[tilespmem:$0x8200] =	vst v63  }
0x65: {  	_ = 	snop  }
0x66: {  	[tilespmem:s25], [sflag:$0x4] =	stream.indirect_vreg.gather [hbm4b:s1+s3], $0x80, v3, vm0, $0xb8;
	[tilespmem:$0x8200] =	vst v63  }
0x67: {  	_ =	swait.ge [sflag:s26], $0x2000  }
0x68: {  	[sflag:s26] =	ssyncset.done $0x0  }
0x69: {  	[sflag:s26] =	ssyncadd.s32 $0xFFFFE000  }
0x6a: {  	[hbm4b:s4+s3] =	stream.linear.scatter [tilespmem:s10], [sflag:$0x5], $0x2000, $0x38;
	[tilespmem:$0x8200] =	vst v63  }
0x6b: {  	_ =	swait.ge [sflag:s28], $0x2000  }
0x6c: {  	[sflag:s28] =	ssyncset.done $0x0  }
0x6d: {  	[sflag:s28] =	ssyncadd.s32 $0xFFFFE000  }
0x6e: {  	[hbm4b:s5+s3] =	stream.linear.scatter [tilespmem:s14], [sflag:$0x5], $0x2000, $0x38;
	[tilespmem:$0x8200] =	vst v63  }
0x6f: {  	_ =	swait.ge [sflag:s29], $0x2000  }
0x70: {  	[sflag:s29] =	ssyncset.done $0x0  }
0x71: {  	[sflag:s29] =	ssyncadd.s32 $0xFFFFE000  }
0x72: {  	[hbm4b:s6+s3] =	stream.linear.scatter [tilespmem:s18], [sflag:$0x5], $0x2000, $0x38;
	[tilespmem:$0x8200] =	vst v63  }
0x73: {  	_ =	swait.ge [sflag:s30], $0x2000  }
0x74: {  	[sflag:s30] =	ssyncset.done $0x0  }
0x75: {  	[sflag:s30] =	ssyncadd.s32 $0xFFFFE000  }
0x76: {  	[hbm4b:s7+s3] =	stream.linear.scatter [tilespmem:s22], [sflag:$0x5], $0x2000, $0x38;
	[tilespmem:$0x8200] =	vst v63  }
0x77: {  	_ =	swait.ge [sflag:s31], $0x2000  }
0x78: {  	[sflag:s31] =	ssyncset.done $0x0  }
0x79: {  	[sflag:s31] =	ssyncadd.s32 $0xFFFFE000  }
0x7a: {  	_ =	swait.ge [sflag:s31], $0x2000  }
0x7b: {  	[sflag:s31] =	ssyncset.done $0x0  }
0x7c: {  	[sflag:s31] =	ssyncadd.s32 $0xFFFFE000  }
0x7d: {  	p0 =	sne.s32 s8, $0x1;
	_ =	swait.ge [sflag:s31], $0x2000  }
.Ltmp0:
0x7e: {  	[sflag:s31] =	ssyncset.done $0x0;
	(pc) =	sbr.rel @p0 .LBB2_1-.Ltmp0, $4  }
0x7f: {  	[sflag:s31] =	ssyncadd.s32 $0xFFFFE000  }
0x80: {  	_ =	swait.ge [sflag:s31], $0x2000  }
0x81: {  	[sflag:s31] =	ssyncset.done $0x0  }
0x82: {  	s8 =	sadd.s32 $0xFFFFFFFF, s8;
	[sflag:s31] =	ssyncadd.s32 $0xFFFFE000  }
0x83: {  	_ =	sfence.sel $0x180000  }
0x84: {  	[bflag:$0x0] =	sbarrier.arrive $0xFFFF  }
0x85: {  	_ =	strace $0x90000047  }
0x86: {  	[bflag:$0x2] =	sbarrier.arrive $0xFFFF  }
0x87: {  	p0 =	sne.s32 s2, $0x0;
	s0 =	rddreg [dreg:$0x3]  }
0x88: {  	s0 =	sadd.s32 @!p0 $0x100000, s0  }
0x89: {  	[sflag:s0] =	ssyncadd.tile.s32 @!p0 $0x1;
	_ =	shalt  }
.Lfunc_end2:
_tile_overlayer_lowered:
.L_overlay_start_2:
0x8a: {  	(tag) =	ssettag $0x2  }
0x8b: {  	s0 =	rddreg [dreg:$0x0];
	s2 =	stileid.u32  }
0x8c: {  	s1 =	rddreg [dreg:$0x1];
	p0 =	sne.s32 s2, $0x0  }
0x8d: {  	s3 =	rddreg [dreg:$0x2];
	[bflag:$0x3] =	sbarrier.arrive $0xFFFF;
	s2 =	simm.s32 @!p0 $0x1C06  }
0x8e: {  	[timem:s3], [sflag:s2] =	dma.local @!p0 [hbm:s0], s1  }
0x8f: {  	s0 =	simm.s32 @!p0 $0x6  }
0x90: {  	_ =	swait.ge @!p0 [sflag:s0], s1  }
0x91: {  	s1 =	ssub.s32 @!p0 $0x0, s1;
	[sflag:s0] =	ssyncset.done @!p0 $0x0  }
0x92: {  	[sflag:s0] =	ssyncadd.s32 @!p0 s1  }
0x93: {  	[bflag:$0x3] =	sbarrier.arrive $0xFFFF  }
0x94: {  	_ =	shalt  }

</sc_bundles>
